<compile_context>
chip_gen: v7x
topology: tpu7x:2x2x1
jax: 0.10.2.dev20260603
libtpu: 0.0.44.dev20260713+nightly
codegen_flags: <defaults>
</compile_context>

<pallas_src>
import functools

import jax
import jax.numpy as jnp
from jax import lax
from jax.experimental import pallas as pl
from jax.experimental.pallas import tpu as pltpu
from jax.experimental.pallas import tpu_sc as plsc

NUM_TOKENS = 100000
DIM = 64
NC, NS, LANES = 2, 16, 16
NW = NC * NS
CHUNK = 128
NPAD = 100352
ZSL = NPAD // NS
T0 = 104


def _mesh():
    return plsc.VectorSubcoreMesh(
        core_axis_name="c", subcore_axis_name="s",
        num_cores=NC, num_subcores=NS)


_SC_PARAMS = pltpu.CompilerParams(use_tc_tiling_on_sc=False)


@functools.cache
def _build_bincount(total):
    n_chunks = total // (NW * CHUNK)

    @functools.partial(
        pl.kernel,
        out_type=jax.ShapeDtypeStruct((NC, NPAD), jnp.float32),
        mesh=_mesh(),
        scratch_types=[
            pltpu.VMEM((n_chunks, CHUNK), jnp.int32),
            pltpu.VMEM((CHUNK,), jnp.float32),
            pltpu.VMEM((ZSL,), jnp.float32),
            pltpu.VMEM_SHARED((NPAD,), jnp.float32),
        ],
        compiler_params=_SC_PARAMS,
    )
    def bincount_k(x_hbm, out_hbm, idx_v, ones_v, zro_v, counts_sh):
        cid = lax.axis_index("c")
        sid = lax.axis_index("s")
        wid = sid * NC + cid

        def zfill(i, _):
            zro_v[pl.ds(i * LANES, LANES)] = jnp.zeros((LANES,), jnp.float32)
            return 0
        lax.fori_loop(0, ZSL // LANES, zfill, 0)
        for i in range(CHUNK // LANES):
            ones_v[pl.ds(i * LANES, LANES)] = jnp.ones((LANES,), jnp.float32)

        pltpu.sync_copy(zro_v, counts_sh.at[pl.ds(sid * ZSL, ZSL)])
        plsc.subcore_barrier()

        pltpu.sync_copy(x_hbm.at[pl.ds(wid * n_chunks, n_chunks), :], idx_v)

        def scat(j, _):
            pltpu.sync_copy(ones_v, counts_sh.at[idx_v.at[j]], add=True)
            return 0
        lax.fori_loop(0, n_chunks, scat, 0)

        plsc.subcore_barrier()
        pltpu.sync_copy(counts_sh.at[pl.ds(sid * ZSL, ZSL)],
                        out_hbm.at[cid, pl.ds(sid * ZSL, ZSL)])

    return bincount_k


def _combine_body(tok, rev, iso, c0, c1, outf, outa):
    cnt = c0[...] + c1[...]
    rar = 0.2 / (jnp.sqrt(cnt) + 1.0)
    base = tok[...] + rar * iso[...]
    outa[...] = base
    outf[...] = base + 0.1 * rev[...]


def _combine_t_body(tok, rev, iso, c0, c1, outf, outa):
    cnt = c0[...] + c1[...]
    rar = 0.2 / (jnp.sqrt(cnt) + 1.0)
    base = tok[...] + rar * iso[...]
    outa[...] = base.T
    outf[...] = (base + 0.1 * rev[...]).T


@functools.cache
def _build_combine_t(rows):
    grid = -(-NUM_TOKENS // rows)
    emb_spec = pl.BlockSpec((DIM, rows), lambda i: (0, i))
    cnt_spec = pl.BlockSpec((1, rows), lambda i: (0, i))
    out_spec = pl.BlockSpec((rows, DIM), lambda i: (i, 0))
    return pl.pallas_call(
        _combine_t_body,
        grid=(grid,),
        in_specs=[emb_spec, emb_spec, emb_spec, cnt_spec, cnt_spec],
        out_specs=[out_spec, out_spec],
        out_shape=[jax.ShapeDtypeStruct((NUM_TOKENS, DIM), jnp.float32),
                   jax.ShapeDtypeStruct((NUM_TOKENS, DIM), jnp.float32)],
    )


@functools.cache
def _build_combine(rows):
    grid = NUM_TOKENS // rows
    emb_spec = pl.BlockSpec((rows, DIM), lambda i: (i, 0))
    cnt_spec = pl.BlockSpec((rows, 1), lambda i: (i, 0))
    return pl.pallas_call(
        _combine_body,
        grid=(grid,),
        in_specs=[emb_spec, emb_spec, emb_spec, cnt_spec, cnt_spec],
        out_specs=[emb_spec, emb_spec],
        out_shape=[jax.ShapeDtypeStruct((NUM_TOKENS, DIM), jnp.float32),
                   jax.ShapeDtypeStruct((NUM_TOKENS, DIM), jnp.float32)],
    )


@functools.cache
def _build_gather(b, s):
    total = b * s
    rows_per_w = b // NW
    s2 = s - T0

    half = rows_per_w // 2

    @functools.partial(
        pl.kernel,
        out_type=jax.ShapeDtypeStruct((total, DIM), jnp.float32),
        mesh=_mesh(),
        scratch_types=[
            pltpu.VMEM((rows_per_w, T0), jnp.int32),
            pltpu.VMEM((rows_per_w, s2), jnp.int32),
            pltpu.VMEM((rows_per_w, s2), jnp.int32),
            [pltpu.VMEM((T0, DIM), jnp.float32) for _ in range(2)],
            [pltpu.VMEM((s2, DIM), jnp.float32) for _ in range(2)],
            [pltpu.VMEM((s2, DIM), jnp.float32) for _ in range(2)],
            [pltpu.VMEM((s2, DIM), jnp.float32) for _ in range(2)],
            [pltpu.SemaphoreType.DMA for _ in range(10)],
        ],
        compiler_params=_SC_PARAMS,
    )
    def gather_k(tf_hbm, ta_hbm, xh_hbm, xt_hbm, xm_hbm, out_hbm,
                 idxh_v, idxt_v, idxm_v, buff, bufa, bufm, bufo, sems):
        cid = lax.axis_index("c")
        sid = lax.axis_index("s")
        wid = sid * NC + cid
        row0 = wid * rows_per_w
        pltpu.sync_copy(xh_hbm.at[pl.ds(row0, rows_per_w), :], idxh_v)
        pltpu.sync_copy(xt_hbm.at[pl.ds(row0, rows_per_w), :], idxt_v)
        pltpu.sync_copy(xm_hbm.at[pl.ds(row0, rows_per_w), :], idxm_v)
        semf = sems[0:2]
        sema = sems[2:4]
        semm = sems[4:6]
        semwh = sems[6:8]
        semwt = sems[8:10]

        def issue(p, r):
            pltpu.async_copy(tf_hbm.at[idxh_v.at[r]], buff[p], semf[p])
            pltpu.async_copy(ta_hbm.at[idxt_v.at[r]], bufa[p], sema[p])
            pltpu.async_copy(tf_hbm.at[idxm_v.at[r]], bufm[p], semm[p])

        def drain_g(p):
            pltpu.make_async_copy(tf_hbm.at[idxh_v.at[0]], buff[p], semf[p]).wait()
            pltpu.make_async_copy(ta_hbm.at[idxt_v.at[0]], bufa[p], sema[p]).wait()
            pltpu.make_async_copy(tf_hbm.at[idxm_v.at[0]], bufm[p], semm[p]).wait()

        def process(p, r):
            obase = (row0 + r) * s
            drain_g(p)
            pltpu.async_copy(buff[p], out_hbm.at[pl.ds(obase, T0), :], semwh[p])

            def fma(k, _):
                for j in range(DIM // LANES):
                    bufo[p][k, pl.ds(j * LANES, LANES)] = (
                        bufa[p][k, pl.ds(j * LANES, LANES)]
                        + 0.1 * bufm[p][k, pl.ds(j * LANES, LANES)])
                return 0
            lax.fori_loop(0, s2, fma, 0)
            pltpu.async_copy(bufo[p], out_hbm.at[pl.ds(obase + T0, s2), :],
                             semwt[p])

        def drain_w(p, r):
            obase = (row0 + r) * s
            pltpu.make_async_copy(buff[p], out_hbm.at[pl.ds(obase, T0), :],
                                  semwh[p]).wait()
            pltpu.make_async_copy(bufo[p], out_hbm.at[pl.ds(obase + T0, s2), :],
                                  semwt[p]).wait()

        issue(0, 0)
        issue(1, 1)

        def body(i, _):
            r0 = 2 * i
            r1 = r0 + 1
            process(0, r0)
            process(1, r1)
            drain_w(0, r0)

            @pl.when(i < half - 1)
            def _():
                issue(0, r0 + 2)
            drain_w(1, r1)

            @pl.when(i < half - 1)
            def _():
                issue(1, r1 + 2)
            return 0
        lax.fori_loop(0, half, body, 0)

    return gather_k


def kernel(x, token_emb, reverse_emb, isolation_vectors):
    b, s = x.shape
    total = b * s
    xf = x.reshape(total // CHUNK, CHUNK)

    counts = _build_bincount(total)(xf)
    c0 = counts[0, :NUM_TOKENS].reshape(1, NUM_TOKENS)
    c1 = counts[1, :NUM_TOKENS].reshape(1, NUM_TOKENS)
    tf, ta = _build_combine_t(4096)(token_emb.T, reverse_emb.T,
                                    isolation_vectors.T, c0, c1)
    xh = x[:, :T0]
    xt = x[:, T0:]
    xm = jnp.flip(x[:, :s - T0], axis=1)
    out = _build_gather(b, s)(tf, ta, xh, xt, xm)
    return out.reshape(b, s, DIM)

# --- scband reference (transcript-rebuilt; emitter-appended) ---
"""Pipeline reference for scband-blanchotian-embedding-68925635166208 (READ-ONLY COPY).

The authoritative reference and input builder live on the scoring server;
editing this copy changes nothing except your own understanding.
"""

import jax, jax.numpy as jnp
import numpy as np

NUM_TOKENS = 100000
DIM = 64
ORPHEUS_FACTOR = 0.1


def setup_inputs(seed: int = 0) -> dict:
    key = jax.random.key(seed)
    k1, k2, k3, k4 = jax.random.split(key, 4)
    x = jax.random.randint(k1, (4096, 200), 0, NUM_TOKENS, dtype=jnp.int64 if jax.config.jax_enable_x64 else jnp.int32).astype(jnp.int32)
    token_emb = jax.random.normal(k2, (NUM_TOKENS, DIM), dtype=jnp.float32)
    reverse_emb = jax.random.normal(k3, (NUM_TOKENS, DIM), dtype=jnp.float32)
    isolation_vectors = jax.random.normal(k4, (NUM_TOKENS, DIM), dtype=jnp.float32) * 0.02
    return {"x": x, "token_emb": token_emb, "reverse_emb": reverse_emb, "isolation_vectors": isolation_vectors}


def reference(x, token_emb, reverse_emb, isolation_vectors):
    # emb = self.token_emb(x)
    emb = jnp.take(token_emb, x, axis=0)
    # reverse_indices = torch.flip(x, dims=[1])
    reverse_indices = jnp.flip(x, axis=1)
    reverse_component = jnp.take(reverse_emb, reverse_indices, axis=0)
    orphic_embeddings = emb + ORPHEUS_FACTOR * jnp.flip(reverse_component, axis=1)
    # isolation_component = F.embedding(x, self.isolation_vectors)
    isolation_component = jnp.take(isolation_vectors, x, axis=0)
    # token_frequencies = torch.bincount(x.flatten(), minlength=num_tokens)
    token_frequencies = jnp.bincount(x.reshape(-1), minlength=NUM_TOKENS, length=NUM_TOKENS)
    rarity_factors = 1.0 / (jnp.sqrt(token_frequencies.astype(jnp.float32)) + 1.0)
    rarity_weights = jnp.take(rarity_factors, x, axis=0)[..., None]
    final_embeddings = orphic_embeddings + isolation_component * rarity_weights * 0.2
    return final_embeddings

if __name__ == "__main__":
    import jax
    _d = setup_inputs()
    print(jax.jit(kernel)(*tuple(_d.values())))

</pallas_src>

<mosaic_0001>
#map = affine_map<(d0, d1) -> (0, 0)>
module attributes {stable_mosaic.version = 14 : i64} {
  func.func @bincount_k(%arg0: i32, %arg1: i32, %arg2: memref<6400x128xi32, #tpu.memory_space<hbm>>, %arg3: memref<2x100352xf32, #tpu.memory_space<hbm>>, %arg4: memref<200x128xi32, #tpu.memory_space<vmem>>, %arg5: memref<128xf32, #tpu.memory_space<vmem>>, %arg6: memref<6272xf32, #tpu.memory_space<vmem>>, %arg7: memref<100352xf32, #tpu.memory_space<vmem_shared>>) attributes {dimension_semantics = [#tpu.dimension_semantics<core_parallel>, #tpu.dimension_semantics<subcore_parallel>], iteration_bounds = array<i64: 2, 16>, scalar_prefetch = 0 : i64, scratch_operands = 4 : i64, tpu.core_type = #tpu.core_type<sc_vector_subcore>, window_params = [{transform_indices = #map}, {transform_indices = #map}]} {
    %mul3A = arith.constant 2 : i32
    %mul3A_0 = arith.muli %arg1, %mul3A : i32
    %add3A = arith.addi %mul3A_0, %arg0 : i32
    %scan3A = arith.constant 0 : i32
    %scan3A_1 = arith.constant 0 : i32
    %scan3A_2 = arith.constant 392 : i32
    %scan3A_3 = arith.addi %scan3A_1, %scan3A_2 : i32
    %scan3A_4 = arith.constant 1 : i32
    %scan3A_5 = scf.for %scan3A_69 = %scan3A_1 to %scan3A_3 step %scan3A_4 iter_args(%scan3A_70 = %scan3A) -> (i32)  : i32 {
      %broadcast_in_dim3A_71 = arith.constant 0.000000e+00 : f32
      %broadcast_in_dim3A_72 = vector.broadcast %broadcast_in_dim3A_71 : f32 to vector<16xf32>
      %mul3A_73 = arith.constant 16 : i32
      %mul3A_74 = arith.muli %scan3A_69, %mul3A_73 : i32
      %swap3A_75 = arith.index_cast %mul3A_74 : i32 to index
      %swap3A_76 = tpu.vector_load %arg6[%swap3A_75] {strides = array<i32>} : memref<6272xf32, #tpu.memory_space<vmem>>, vector<16xf32>,
      %swap3A_77 = vector.shape_cast %swap3A_76 : vector<16xf32> to vector<16xf32>
      %swap3A_78 = vector.shape_cast %broadcast_in_dim3A_72 : vector<16xf32> to vector<16xf32>
      tpu.vector_store %arg6[%swap3A_75], %swap3A_78 {strides = array<i32>} : memref<6272xf32, #tpu.memory_space<vmem>>, vector<16xf32>,
      %scan3A_79 = arith.constant 0 : i32
      scf.yield %scan3A_79 : i32
    }
    %scan3A_6 = arith.constant 392 : i32
    %broadcast_in_dim3A = arith.constant 1.000000e+00 : f32
    %broadcast_in_dim3A_7 = vector.broadcast %broadcast_in_dim3A : f32 to vector<16xf32>
    %swap3A = arith.constant 0 : index
    %swap3A_8 = tpu.vector_load %arg5[%swap3A] {strides = array<i32>} : memref<128xf32, #tpu.memory_space<vmem>>, vector<16xf32>,
    %swap3A_9 = vector.shape_cast %swap3A_8 : vector<16xf32> to vector<16xf32>
    %swap3A_10 = vector.shape_cast %broadcast_in_dim3A_7 : vector<16xf32> to vector<16xf32>
    tpu.vector_store %arg5[%swap3A], %swap3A_10 {strides = array<i32>} : memref<128xf32, #tpu.memory_space<vmem>>, vector<16xf32>,
    %broadcast_in_dim3A_11 = arith.constant 1.000000e+00 : f32
    %broadcast_in_dim3A_12 = vector.broadcast %broadcast_in_dim3A_11 : f32 to vector<16xf32>
    %swap3A_13 = arith.constant 16 : index
    %swap3A_14 = tpu.vector_load %arg5[%swap3A_13] {strides = array<i32>} : memref<128xf32, #tpu.memory_space<vmem>>, vector<16xf32>,
    %swap3A_15 = vector.shape_cast %swap3A_14 : vector<16xf32> to vector<16xf32>
    %swap3A_16 = vector.shape_cast %broadcast_in_dim3A_12 : vector<16xf32> to vector<16xf32>
    tpu.vector_store %arg5[%swap3A_13], %swap3A_16 {strides = array<i32>} : memref<128xf32, #tpu.memory_space<vmem>>, vector<16xf32>,
    %broadcast_in_dim3A_17 = arith.constant 1.000000e+00 : f32
    %broadcast_in_dim3A_18 = vector.broadcast %broadcast_in_dim3A_17 : f32 to vector<16xf32>
    %swap3A_19 = arith.constant 32 : index
    %swap3A_20 = tpu.vector_load %arg5[%swap3A_19] {strides = array<i32>} : memref<128xf32, #tpu.memory_space<vmem>>, vector<16xf32>,
    %swap3A_21 = vector.shape_cast %swap3A_20 : vector<16xf32> to vector<16xf32>
    %swap3A_22 = vector.shape_cast %broadcast_in_dim3A_18 : vector<16xf32> to vector<16xf32>
    tpu.vector_store %arg5[%swap3A_19], %swap3A_22 {strides = array<i32>} : memref<128xf32, #tpu.memory_space<vmem>>, vector<16xf32>,
    %broadcast_in_dim3A_23 = arith.constant 1.000000e+00 : f32
    %broadcast_in_dim3A_24 = vector.broadcast %broadcast_in_dim3A_23 : f32 to vector<16xf32>
    %swap3A_25 = arith.constant 48 : index
    %swap3A_26 = tpu.vector_load %arg5[%swap3A_25] {strides = array<i32>} : memref<128xf32, #tpu.memory_space<vmem>>, vector<16xf32>,
    %swap3A_27 = vector.shape_cast %swap3A_26 : vector<16xf32> to vector<16xf32>
    %swap3A_28 = vector.shape_cast %broadcast_in_dim3A_24 : vector<16xf32> to vector<16xf32>
    tpu.vector_store %arg5[%swap3A_25], %swap3A_28 {strides = array<i32>} : memref<128xf32, #tpu.memory_space<vmem>>, vector<16xf32>,
    %broadcast_in_dim3A_29 = arith.constant 1.000000e+00 : f32
    %broadcast_in_dim3A_30 = vector.broadcast %broadcast_in_dim3A_29 : f32 to vector<16xf32>
    %swap3A_31 = arith.constant 64 : index
    %swap3A_32 = tpu.vector_load %arg5[%swap3A_31] {strides = array<i32>} : memref<128xf32, #tpu.memory_space<vmem>>, vector<16xf32>,
    %swap3A_33 = vector.shape_cast %swap3A_32 : vector<16xf32> to vector<16xf32>
    %swap3A_34 = vector.shape_cast %broadcast_in_dim3A_30 : vector<16xf32> to vector<16xf32>
    tpu.vector_store %arg5[%swap3A_31], %swap3A_34 {strides = array<i32>} : memref<128xf32, #tpu.memory_space<vmem>>, vector<16xf32>,
    %broadcast_in_dim3A_35 = arith.constant 1.000000e+00 : f32
    %broadcast_in_dim3A_36 = vector.broadcast %broadcast_in_dim3A_35 : f32 to vector<16xf32>
    %swap3A_37 = arith.constant 80 : index
    %swap3A_38 = tpu.vector_load %arg5[%swap3A_37] {strides = array<i32>} : memref<128xf32, #tpu.memory_space<vmem>>, vector<16xf32>,
    %swap3A_39 = vector.shape_cast %swap3A_38 : vector<16xf32> to vector<16xf32>
    %swap3A_40 = vector.shape_cast %broadcast_in_dim3A_36 : vector<16xf32> to vector<16xf32>
    tpu.vector_store %arg5[%swap3A_37], %swap3A_40 {strides = array<i32>} : memref<128xf32, #tpu.memory_space<vmem>>, vector<16xf32>,
    %broadcast_in_dim3A_41 = arith.constant 1.000000e+00 : f32
    %broadcast_in_dim3A_42 = vector.broadcast %broadcast_in_dim3A_41 : f32 to vector<16xf32>
    %swap3A_43 = arith.constant 96 : index
    %swap3A_44 = tpu.vector_load %arg5[%swap3A_43] {strides = array<i32>} : memref<128xf32, #tpu.memory_space<vmem>>, vector<16xf32>,
    %swap3A_45 = vector.shape_cast %swap3A_44 : vector<16xf32> to vector<16xf32>
    %swap3A_46 = vector.shape_cast %broadcast_in_dim3A_42 : vector<16xf32> to vector<16xf32>
    tpu.vector_store %arg5[%swap3A_43], %swap3A_46 {strides = array<i32>} : memref<128xf32, #tpu.memory_space<vmem>>, vector<16xf32>,
    %broadcast_in_dim3A_47 = arith.constant 1.000000e+00 : f32
    %broadcast_in_dim3A_48 = vector.broadcast %broadcast_in_dim3A_47 : f32 to vector<16xf32>
    %swap3A_49 = arith.constant 112 : index
    %swap3A_50 = tpu.vector_load %arg5[%swap3A_49] {strides = array<i32>} : memref<128xf32, #tpu.memory_space<vmem>>, vector<16xf32>,
    %swap3A_51 = vector.shape_cast %swap3A_50 : vector<16xf32> to vector<16xf32>
    %swap3A_52 = vector.shape_cast %broadcast_in_dim3A_48 : vector<16xf32> to vector<16xf32>
    tpu.vector_store %arg5[%swap3A_49], %swap3A_52 {strides = array<i32>} : memref<128xf32, #tpu.memory_space<vmem>>, vector<16xf32>,
    %mul3A_53 = arith.constant 6272 : i32
    %mul3A_54 = arith.muli %arg1, %mul3A_53 : i32
    "tpu.region"() ({
      %run_scoped3A = tpu.sem_alloc : memref<!tpu.dma_semaphore, #tpu.memory_space<semaphore_mem>>
      %dma_start3A = tpu.memref_slice %arg7[%mul3A_54] : memref<100352xf32, #tpu.memory_space<vmem_shared>> -> memref<6272xf32, #tpu.memory_space<vmem_shared>>
      %dma_start3A_69 = tpu.memref_slice %arg7[%mul3A_54] : memref<100352xf32, #tpu.memory_space<vmem_shared>> -> memref<6272xf32, #tpu.memory_space<vmem_shared>>
      tpu.enqueue_dma source(%arg6 : memref<6272xf32, #tpu.memory_space<vmem>>) target(%dma_start3A_69 : memref<6272xf32, #tpu.memory_space<vmem_shared>>) target_semaphore(%run_scoped3A : memref<!tpu.dma_semaphore, #tpu.memory_space<semaphore_mem>>)
      %dma_wait3A = tpu.memref_slice %arg7[%mul3A_54] : memref<100352xf32, #tpu.memory_space<vmem_shared>> -> memref<6272xf32, #tpu.memory_space<vmem_shared>>
      %dma_wait3A_70 = tpu.memref_slice %arg7[%mul3A_54] : memref<100352xf32, #tpu.memory_space<vmem_shared>> -> memref<6272xf32, #tpu.memory_space<vmem_shared>>
      tpu.wait_dma2 semaphore(%run_scoped3A : memref<!tpu.dma_semaphore, #tpu.memory_space<semaphore_mem>>) src(%arg6 : memref<6272xf32, #tpu.memory_space<vmem>>) dst(%dma_wait3A_70 : memref<6272xf32, #tpu.memory_space<vmem_shared>>)
      tpu.yield
    }) : () -> ()
    %barrier3A = arith.constant 0 : index
    tpu.barrier barrier_id(%barrier3A)
    %mul3A_55 = arith.constant 200 : i32
    %mul3A_56 = arith.muli %add3A, %mul3A_55 : i32
    "tpu.region"() ({
      %run_scoped3A = tpu.sem_alloc : memref<!tpu.dma_semaphore, #tpu.memory_space<semaphore_mem>>
      %dma_start3A = arith.constant 0 : i32
      %dma_start3A_69 = tpu.memref_slice %arg2[%mul3A_56, %dma_start3A] : memref<6400x128xi32, #tpu.memory_space<hbm>> -> memref<200x128xi32, #tpu.memory_space<hbm>>
      %dma_start3A_70 = arith.constant 0 : i32
      %dma_start3A_71 = tpu.memref_slice %arg2[%mul3A_56, %dma_start3A_70] : memref<6400x128xi32, #tpu.memory_space<hbm>> -> memref<200x128xi32, #tpu.memory_space<hbm>>
      tpu.enqueue_dma source(%dma_start3A_71 : memref<200x128xi32, #tpu.memory_space<hbm>>) target(%arg4 : memref<200x128xi32, #tpu.memory_space<vmem>>) target_semaphore(%run_scoped3A : memref<!tpu.dma_semaphore, #tpu.memory_space<semaphore_mem>>)
      %dma_wait3A = arith.constant 0 : i32
      %dma_wait3A_72 = tpu.memref_slice %arg2[%mul3A_56, %dma_wait3A] : memref<6400x128xi32, #tpu.memory_space<hbm>> -> memref<200x128xi32, #tpu.memory_space<hbm>>
      %dma_wait3A_73 = arith.constant 0 : i32
      %dma_wait3A_74 = tpu.memref_slice %arg2[%mul3A_56, %dma_wait3A_73] : memref<6400x128xi32, #tpu.memory_space<hbm>> -> memref<200x128xi32, #tpu.memory_space<hbm>>
      tpu.wait_dma2 semaphore(%run_scoped3A : memref<!tpu.dma_semaphore, #tpu.memory_space<semaphore_mem>>) src(%dma_wait3A_74 : memref<200x128xi32, #tpu.memory_space<hbm>>) dst(%arg4 : memref<200x128xi32, #tpu.memory_space<vmem>>)
      tpu.yield
    }) : () -> ()
    %scan3A_57 = arith.constant 0 : i32
    %scan3A_58 = arith.constant 0 : i32
    %scan3A_59 = arith.constant 200 : i32
    %scan3A_60 = arith.addi %scan3A_58, %scan3A_59 : i32
    %scan3A_61 = arith.constant 1 : i32
    %scan3A_62 = scf.for %scan3A_69 = %scan3A_58 to %scan3A_60 step %scan3A_61 iter_args(%scan3A_70 = %scan3A_57) -> (i32)  : i32 {
      "tpu.region"() ({
        %run_scoped3A = tpu.sem_alloc : memref<!tpu.dma_semaphore, #tpu.memory_space<semaphore_mem>>
        %dma_start3A = arith.constant 0 : i32
        %dma_start3A_72 = tpu.memref_slice %arg4[%scan3A_69, %dma_start3A] : memref<200x128xi32, #tpu.memory_space<vmem>> -> memref<1x128xi32, #tpu.memory_space<vmem>>
        %dma_start3A_73 = tpu.memref_squeeze %dma_start3A_72 : memref<1x128xi32, #tpu.memory_space<vmem>> -> memref<128xi32, #tpu.memory_space<vmem>>
        %dma_start3A_74 = arith.constant 0 : i32
        %dma_start3A_75 = tpu.memref_slice %arg7[%dma_start3A_74] : memref<100352xf32, #tpu.memory_space<vmem_shared>> -> memref<100352xf32, #tpu.memory_space<vmem_shared>>
        tpu.enqueue_indirect_dma source(%arg5 : memref<128xf32, #tpu.memory_space<vmem>>) target(%dma_start3A_75 : memref<100352xf32, #tpu.memory_space<vmem_shared>>) offsets(%dma_start3A_73 : memref<128xi32, #tpu.memory_space<vmem>>) semaphore(%run_scoped3A : memref<!tpu.dma_semaphore, #tpu.memory_space<semaphore_mem>>) {add = true}
        %dma_wait3A = arith.constant 0 : i32
        %dma_wait3A_76 = tpu.memref_slice %arg4[%scan3A_69, %dma_wait3A] : memref<200x128xi32, #tpu.memory_space<vmem>> -> memref<1x128xi32, #tpu.memory_space<vmem>>
        %dma_wait3A_77 = tpu.memref_squeeze %dma_wait3A_76 : memref<1x128xi32, #tpu.memory_space<vmem>> -> memref<128xi32, #tpu.memory_space<vmem>>
        %dma_wait3A_78 = arith.constant 0 : i32
        %dma_wait3A_79 = tpu.memref_slice %arg7[%dma_wait3A_78] : memref<100352xf32, #tpu.memory_space<vmem_shared>> -> memref<100352xf32, #tpu.memory_space<vmem_shared>>
        tpu.wait_indirect_dma semaphore(%run_scoped3A : memref<!tpu.dma_semaphore, #tpu.memory_space<semaphore_mem>>) src(%arg5 : memref<128xf32, #tpu.memory_space<vmem>>) dst(%dma_wait3A_79 : memref<100352xf32, #tpu.memory_space<vmem_shared>>)
        tpu.yield
      }) : () -> ()
      %scan3A_71 = arith.constant 0 : i32
      scf.yield %scan3A_71 : i32
    }
    %scan3A_63 = arith.constant 200 : i32
    %barrier3A_64 = arith.constant 0 : index
    tpu.barrier barrier_id(%barrier3A_64)
    %mul3A_65 = arith.constant 6272 : i32
    %mul3A_66 = arith.muli %arg1, %mul3A_65 : i32
    %mul3A_67 = arith.constant 6272 : i32
    %mul3A_68 = arith.muli %arg1, %mul3A_67 : i32
    "tpu.region"() ({
      %run_scoped3A = tpu.sem_alloc : memref<!tpu.dma_semaphore, #tpu.memory_space<semaphore_mem>>
      %dma_start3A = tpu.memref_slice %arg3[%arg0, %mul3A_68] : memref<2x100352xf32, #tpu.memory_space<hbm>> -> memref<1x6272xf32, #tpu.memory_space<hbm>>
      %dma_start3A_69 = tpu.memref_squeeze %dma_start3A : memref<1x6272xf32, #tpu.memory_space<hbm>> -> memref<6272xf32, #tpu.memory_space<hbm>>
      %dma_start3A_70 = tpu.memref_slice %arg7[%mul3A_66] : memref<100352xf32, #tpu.memory_space<vmem_shared>> -> memref<6272xf32, #tpu.memory_space<vmem_shared>>
      tpu.enqueue_dma source(%dma_start3A_70 : memref<6272xf32, #tpu.memory_space<vmem_shared>>) target(%dma_start3A_69 : memref<6272xf32, #tpu.memory_space<hbm>>) target_semaphore(%run_scoped3A : memref<!tpu.dma_semaphore, #tpu.memory_space<semaphore_mem>>)
      %dma_wait3A = tpu.memref_slice %arg3[%arg0, %mul3A_68] : memref<2x100352xf32, #tpu.memory_space<hbm>> -> memref<1x6272xf32, #tpu.memory_space<hbm>>
      %dma_wait3A_71 = tpu.memref_squeeze %dma_wait3A : memref<1x6272xf32, #tpu.memory_space<hbm>> -> memref<6272xf32, #tpu.memory_space<hbm>>
      %dma_wait3A_72 = tpu.memref_slice %arg7[%mul3A_66] : memref<100352xf32, #tpu.memory_space<vmem_shared>> -> memref<6272xf32, #tpu.memory_space<vmem_shared>>
      tpu.wait_dma2 semaphore(%run_scoped3A : memref<!tpu.dma_semaphore, #tpu.memory_space<semaphore_mem>>) src(%dma_wait3A_72 : memref<6272xf32, #tpu.memory_space<vmem_shared>>) dst(%dma_wait3A_71 : memref<6272xf32, #tpu.memory_space<hbm>>)
      tpu.yield
    }) : () -> ()
    return
  }
}

#map = affine_map<(d0, d1) -> (0, 0)>
module attributes {stable_mosaic.version = 14 : i64} {
  func.func @gather_k(%arg0: i32, %arg1: i32, %arg2: memref<100000x64xf32, #tpu.memory_space<hbm>>, %arg3: memref<100000x64xf32, #tpu.memory_space<hbm>>, %arg4: memref<4096x104xi32, #tpu.memory_space<hbm>>, %arg5: memref<4096x96xi32, #tpu.memory_space<hbm>>, %arg6: memref<4096x96xi32, #tpu.memory_space<hbm>>, %arg7: memref<819200x64xf32, #tpu.memory_space<hbm>>, %arg8: memref<128x104xi32, #tpu.memory_space<vmem>>, %arg9: memref<128x96xi32, #tpu.memory_space<vmem>>, %arg10: memref<128x96xi32, #tpu.memory_space<vmem>>, %arg11: memref<104x64xf32, #tpu.memory_space<vmem>>, %arg12: memref<104x64xf32, #tpu.memory_space<vmem>>, %arg13: memref<96x64xf32, #tpu.memory_space<vmem>>, %arg14: memref<96x64xf32, #tpu.memory_space<vmem>>, %arg15: memref<96x64xf32, #tpu.memory_space<vmem>>, %arg16: memref<96x64xf32, #tpu.memory_space<vmem>>, %arg17: memref<96x64xf32, #tpu.memory_space<vmem>>, %arg18: memref<96x64xf32, #tpu.memory_space<vmem>>, %arg19: memref<!tpu.dma_semaphore, #tpu.memory_space<semaphore_mem>>, %arg20: memref<!tpu.dma_semaphore, #tpu.memory_space<semaphore_mem>>, %arg21: memref<!tpu.dma_semaphore, #tpu.memory_space<semaphore_mem>>, %arg22: memref<!tpu.dma_semaphore, #tpu.memory_space<semaphore_mem>>, %arg23: memref<!tpu.dma_semaphore, #tpu.memory_space<semaphore_mem>>, %arg24: memref<!tpu.dma_semaphore, #tpu.memory_space<semaphore_mem>>, %arg25: memref<!tpu.dma_semaphore, #tpu.memory_space<semaphore_mem>>, %arg26: memref<!tpu.dma_semaphore, #tpu.memory_space<semaphore_mem>>, %arg27: memref<!tpu.dma_semaphore, #tpu.memory_space<semaphore_mem>>, %arg28: memref<!tpu.dma_semaphore, #tpu.memory_space<semaphore_mem>>) attributes {dimension_semantics = [#tpu.dimension_semantics<core_parallel>, #tpu.dimension_semantics<subcore_parallel>], iteration_bounds = array<i64: 2, 16>, scalar_prefetch = 0 : i64, scratch_operands = 21 : i64, tpu.core_type = #tpu.core_type<sc_vector_subcore>, window_params = [{transform_indices = #map}, {transform_indices = #map}, {transform_indices = #map}, {transform_indices = #map}, {transform_indices = #map}, {transform_indices = #map}]} {
    %mul3A = arith.constant 2 : i32
    %mul3A_0 = arith.muli %arg1, %mul3A : i32
    %add3A = arith.addi %mul3A_0, %arg0 : i32
    %mul3A_1 = arith.constant 128 : i32
    %mul3A_2 = arith.muli %add3A, %mul3A_1 : i32
    "tpu.region"() ({
      %run_scoped3A = tpu.sem_alloc : memref<!tpu.dma_semaphore, #tpu.memory_space<semaphore_mem>>
      %dma_start3A_50 = arith.constant 0 : i32
      %dma_start3A_51 = tpu.memref_slice %arg4[%mul3A_2, %dma_start3A_50] : memref<4096x104xi32, #tpu.memory_space<hbm>> -> memref<128x104xi32, #tpu.memory_space<hbm>>
      %dma_start3A_52 = arith.constant 0 : i32
      %dma_start3A_53 = tpu.memref_slice %arg4[%mul3A_2, %dma_start3A_52] : memref<4096x104xi32, #tpu.memory_space<hbm>> -> memref<128x104xi32, #tpu.memory_space<hbm>>
      tpu.enqueue_dma source(%dma_start3A_53 : memref<128x104xi32, #tpu.memory_space<hbm>>) target(%arg8 : memref<128x104xi32, #tpu.memory_space<vmem>>) target_semaphore(%run_scoped3A : memref<!tpu.dma_semaphore, #tpu.memory_space<semaphore_mem>>)
      %dma_wait3A = arith.constant 0 : i32
      %dma_wait3A_54 = tpu.memref_slice %arg4[%mul3A_2, %dma_wait3A] : memref<4096x104xi32, #tpu.memory_space<hbm>> -> memref<128x104xi32, #tpu.memory_space<hbm>>
      %dma_wait3A_55 = arith.constant 0 : i32
      %dma_wait3A_56 = tpu.memref_slice %arg4[%mul3A_2, %dma_wait3A_55] : memref<4096x104xi32, #tpu.memory_space<hbm>> -> memref<128x104xi32, #tpu.memory_space<hbm>>
      tpu.wait_dma2 semaphore(%run_scoped3A : memref<!tpu.dma_semaphore, #tpu.memory_space<semaphore_mem>>) src(%dma_wait3A_56 : memref<128x104xi32, #tpu.memory_space<hbm>>) dst(%arg8 : memref<128x104xi32, #tpu.memory_space<vmem>>)
      tpu.yield
    }) : () -> ()
    "tpu.region"() ({
      %run_scoped3A = tpu.sem_alloc : memref<!tpu.dma_semaphore, #tpu.memory_space<semaphore_mem>>
      %dma_start3A_50 = arith.constant 0 : i32
      %dma_start3A_51 = tpu.memref_slice %arg5[%mul3A_2, %dma_start3A_50] : memref<4096x96xi32, #tpu.memory_space<hbm>> -> memref<128x96xi32, #tpu.memory_space<hbm>>
      %dma_start3A_52 = arith.constant 0 : i32
      %dma_start3A_53 = tpu.memref_slice %arg5[%mul3A_2, %dma_start3A_52] : memref<4096x96xi32, #tpu.memory_space<hbm>> -> memref<128x96xi32, #tpu.memory_space<hbm>>
      tpu.enqueue_dma source(%dma_start3A_53 : memref<128x96xi32, #tpu.memory_space<hbm>>) target(%arg9 : memref<128x96xi32, #tpu.memory_space<vmem>>) target_semaphore(%run_scoped3A : memref<!tpu.dma_semaphore, #tpu.memory_space<semaphore_mem>>)
      %dma_wait3A = arith.constant 0 : i32
      %dma_wait3A_54 = tpu.memref_slice %arg5[%mul3A_2, %dma_wait3A] : memref<4096x96xi32, #tpu.memory_space<hbm>> -> memref<128x96xi32, #tpu.memory_space<hbm>>
      %dma_wait3A_55 = arith.constant 0 : i32
      %dma_wait3A_56 = tpu.memref_slice %arg5[%mul3A_2, %dma_wait3A_55] : memref<4096x96xi32, #tpu.memory_space<hbm>> -> memref<128x96xi32, #tpu.memory_space<hbm>>
      tpu.wait_dma2 semaphore(%run_scoped3A : memref<!tpu.dma_semaphore, #tpu.memory_space<semaphore_mem>>) src(%dma_wait3A_56 : memref<128x96xi32, #tpu.memory_space<hbm>>) dst(%arg9 : memref<128x96xi32, #tpu.memory_space<vmem>>)
      tpu.yield
    }) : () -> ()
    "tpu.region"() ({
      %run_scoped3A = tpu.sem_alloc : memref<!tpu.dma_semaphore, #tpu.memory_space<semaphore_mem>>
      %dma_start3A_50 = arith.constant 0 : i32
      %dma_start3A_51 = tpu.memref_slice %arg6[%mul3A_2, %dma_start3A_50] : memref<4096x96xi32, #tpu.memory_space<hbm>> -> memref<128x96xi32, #tpu.memory_space<hbm>>
      %dma_start3A_52 = arith.constant 0 : i32
      %dma_start3A_53 = tpu.memref_slice %arg6[%mul3A_2, %dma_start3A_52] : memref<4096x96xi32, #tpu.memory_space<hbm>> -> memref<128x96xi32, #tpu.memory_space<hbm>>
      tpu.enqueue_dma source(%dma_start3A_53 : memref<128x96xi32, #tpu.memory_space<hbm>>) target(%arg10 : memref<128x96xi32, #tpu.memory_space<vmem>>) target_semaphore(%run_scoped3A : memref<!tpu.dma_semaphore, #tpu.memory_space<semaphore_mem>>)
      %dma_wait3A = arith.constant 0 : i32
      %dma_wait3A_54 = tpu.memref_slice %arg6[%mul3A_2, %dma_wait3A] : memref<4096x96xi32, #tpu.memory_space<hbm>> -> memref<128x96xi32, #tpu.memory_space<hbm>>
      %dma_wait3A_55 = arith.constant 0 : i32
      %dma_wait3A_56 = tpu.memref_slice %arg6[%mul3A_2, %dma_wait3A_55] : memref<4096x96xi32, #tpu.memory_space<hbm>> -> memref<128x96xi32, #tpu.memory_space<hbm>>
      tpu.wait_dma2 semaphore(%run_scoped3A : memref<!tpu.dma_semaphore, #tpu.memory_space<semaphore_mem>>) src(%dma_wait3A_56 : memref<128x96xi32, #tpu.memory_space<hbm>>) dst(%arg10 : memref<128x96xi32, #tpu.memory_space<vmem>>)
      tpu.yield
    }) : () -> ()
    %dma_start3A = arith.constant 0 : i32
    %dma_start3A_3 = arith.constant 0 : i32
    %dma_start3A_4 = tpu.memref_slice %arg8[%dma_start3A, %dma_start3A_3] : memref<128x104xi32, #tpu.memory_space<vmem>> -> memref<1x104xi32, #tpu.memory_space<vmem>>
    %dma_start3A_5 = tpu.memref_squeeze %dma_start3A_4 : memref<1x104xi32, #tpu.memory_space<vmem>> -> memref<104xi32, #tpu.memory_space<vmem>>
    %dma_start3A_6 = arith.constant 0 : i32
    %dma_start3A_7 = arith.constant 0 : i32
    %dma_start3A_8 = tpu.memref_slice %arg2[%dma_start3A_6, %dma_start3A_7] : memref<100000x64xf32, #tpu.memory_space<hbm>> -> memref<100000x64xf32, #tpu.memory_space<hbm>>
    tpu.enqueue_indirect_dma source(%dma_start3A_8 : memref<100000x64xf32, #tpu.memory_space<hbm>>) target(%arg11 : memref<104x64xf32, #tpu.memory_space<vmem>>) offsets(%dma_start3A_5 : memref<104xi32, #tpu.memory_space<vmem>>) semaphore(%arg19 : memref<!tpu.dma_semaphore, #tpu.memory_space<semaphore_mem>>)
    %dma_start3A_9 = arith.constant 0 : i32
    %dma_start3A_10 = arith.constant 0 : i32
    %dma_start3A_11 = tpu.memref_slice %arg9[%dma_start3A_9, %dma_start3A_10] : memref<128x96xi32, #tpu.memory_space<vmem>> -> memref<1x96xi32, #tpu.memory_space<vmem>>
    %dma_start3A_12 = tpu.memref_squeeze %dma_start3A_11 : memref<1x96xi32, #tpu.memory_space<vmem>> -> memref<96xi32, #tpu.memory_space<vmem>>
    %dma_start3A_13 = arith.constant 0 : i32
    %dma_start3A_14 = arith.constant 0 : i32
    %dma_start3A_15 = tpu.memref_slice %arg3[%dma_start3A_13, %dma_start3A_14] : memref<100000x64xf32, #tpu.memory_space<hbm>> -> memref<100000x64xf32, #tpu.memory_space<hbm>>
    tpu.enqueue_indirect_dma source(%dma_start3A_15 : memref<100000x64xf32, #tpu.memory_space<hbm>>) target(%arg13 : memref<96x64xf32, #tpu.memory_space<vmem>>) offsets(%dma_start3A_12 : memref<96xi32, #tpu.memory_space<vmem>>) semaphore(%arg21 : memref<!tpu.dma_semaphore, #tpu.memory_space<semaphore_mem>>)
    %dma_start3A_16 = arith.constant 0 : i32
    %dma_start3A_17 = arith.constant 0 : i32
    %dma_start3A_18 = tpu.memref_slice %arg10[%dma_start3A_16, %dma_start3A_17] : memref<128x96xi32, #tpu.memory_space<vmem>> -> memref<1x96xi32, #tpu.memory_space<vmem>>
    %dma_start3A_19 = tpu.memref_squeeze %dma_start3A_18 : memref<1x96xi32, #tpu.memory_space<vmem>> -> memref<96xi32, #tpu.memory_space<vmem>>
    %dma_start3A_20 = arith.constant 0 : i32
    %dma_start3A_21 = arith.constant 0 : i32
    %dma_start3A_22 = tpu.memref_slice %arg2[%dma_start3A_20, %dma_start3A_21] : memref<100000x64xf32, #tpu.memory_space<hbm>> -> memref<100000x64xf32, #tpu.memory_space<hbm>>
    tpu.enqueue_indirect_dma source(%dma_start3A_22 : memref<100000x64xf32, #tpu.memory_space<hbm>>) target(%arg15 : memref<96x64xf32, #tpu.memory_space<vmem>>) offsets(%dma_start3A_19 : memref<96xi32, #tpu.memory_space<vmem>>) semaphore(%arg23 : memref<!tpu.dma_semaphore, #tpu.memory_space<semaphore_mem>>)
    %dma_start3A_23 = arith.constant 1 : i32
    %dma_start3A_24 = arith.constant 0 : i32
    %dma_start3A_25 = tpu.memref_slice %arg8[%dma_start3A_23, %dma_start3A_24] : memref<128x104xi32, #tpu.memory_space<vmem>> -> memref<1x104xi32, #tpu.memory_space<vmem>>
    %dma_start3A_26 = tpu.memref_squeeze %dma_start3A_25 : memref<1x104xi32, #tpu.memory_space<vmem>> -> memref<104xi32, #tpu.memory_space<vmem>>
    %dma_start3A_27 = arith.constant 0 : i32
    %dma_start3A_28 = arith.constant 0 : i32
    %dma_start3A_29 = tpu.memref_slice %arg2[%dma_start3A_27, %dma_start3A_28] : memref<100000x64xf32, #tpu.memory_space<hbm>> -> memref<100000x64xf32, #tpu.memory_space<hbm>>
    tpu.enqueue_indirect_dma source(%dma_start3A_29 : memref<100000x64xf32, #tpu.memory_space<hbm>>) target(%arg12 : memref<104x64xf32, #tpu.memory_space<vmem>>) offsets(%dma_start3A_26 : memref<104xi32, #tpu.memory_space<vmem>>) semaphore(%arg20 : memref<!tpu.dma_semaphore, #tpu.memory_space<semaphore_mem>>)
    %dma_start3A_30 = arith.constant 1 : i32
    %dma_start3A_31 = arith.constant 0 : i32
    %dma_start3A_32 = tpu.memref_slice %arg9[%dma_start3A_30, %dma_start3A_31] : memref<128x96xi32, #tpu.memory_space<vmem>> -> memref<1x96xi32, #tpu.memory_space<vmem>>
    %dma_start3A_33 = tpu.memref_squeeze %dma_start3A_32 : memref<1x96xi32, #tpu.memory_space<vmem>> -> memref<96xi32, #tpu.memory_space<vmem>>
    %dma_start3A_34 = arith.constant 0 : i32
    %dma_start3A_35 = arith.constant 0 : i32
    %dma_start3A_36 = tpu.memref_slice %arg3[%dma_start3A_34, %dma_start3A_35] : memref<100000x64xf32, #tpu.memory_space<hbm>> -> memref<100000x64xf32, #tpu.memory_space<hbm>>
    tpu.enqueue_indirect_dma source(%dma_start3A_36 : memref<100000x64xf32, #tpu.memory_space<hbm>>) target(%arg14 : memref<96x64xf32, #tpu.memory_space<vmem>>) offsets(%dma_start3A_33 : memref<96xi32, #tpu.memory_space<vmem>>) semaphore(%arg22 : memref<!tpu.dma_semaphore, #tpu.memory_space<semaphore_mem>>)
    %dma_start3A_37 = arith.constant 1 : i32
    %dma_start3A_38 = arith.constant 0 : i32
    %dma_start3A_39 = tpu.memref_slice %arg10[%dma_start3A_37, %dma_start3A_38] : memref<128x96xi32, #tpu.memory_space<vmem>> -> memref<1x96xi32, #tpu.memory_space<vmem>>
    %dma_start3A_40 = tpu.memref_squeeze %dma_start3A_39 : memref<1x96xi32, #tpu.memory_space<vmem>> -> memref<96xi32, #tpu.memory_space<vmem>>
    %dma_start3A_41 = arith.constant 0 : i32
    %dma_start3A_42 = arith.constant 0 : i32
    %dma_start3A_43 = tpu.memref_slice %arg2[%dma_start3A_41, %dma_start3A_42] : memref<100000x64xf32, #tpu.memory_space<hbm>> -> memref<100000x64xf32, #tpu.memory_space<hbm>>
    tpu.enqueue_indirect_dma source(%dma_start3A_43 : memref<100000x64xf32, #tpu.memory_space<hbm>>) target(%arg16 : memref<96x64xf32, #tpu.memory_space<vmem>>) offsets(%dma_start3A_40 : memref<96xi32, #tpu.memory_space<vmem>>) semaphore(%arg24 : memref<!tpu.dma_semaphore, #tpu.memory_space<semaphore_mem>>)
    %scan3A = arith.constant 0 : i32
    %scan3A_44 = arith.constant 0 : i32
    %scan3A_45 = arith.constant 64 : i32
    %scan3A_46 = arith.addi %scan3A_44, %scan3A_45 : i32
    %scan3A_47 = arith.constant 1 : i32
    %scan3A_48 = scf.for %scan3A_50 = %scan3A_44 to %scan3A_46 step %scan3A_47 iter_args(%scan3A_51 = %scan3A) -> (i32)  : i32 {
      %mul3A_52 = arith.constant 2 : i32
      %mul3A_53 = arith.muli %mul3A_52, %scan3A_50 : i32
      %add3A_54 = arith.constant 1 : i32
      %add3A_55 = arith.addi %mul3A_53, %add3A_54 : i32
      %add3A_56 = arith.addi %mul3A_2, %mul3A_53 : i32
      %mul3A_57 = arith.constant 200 : i32
      %mul3A_58 = arith.muli %add3A_56, %mul3A_57 : i32
      %dma_wait3A = arith.constant 0 : i32
      %dma_wait3A_59 = arith.constant 0 : i32
      %dma_wait3A_60 = tpu.memref_slice %arg8[%dma_wait3A, %dma_wait3A_59] : memref<128x104xi32, #tpu.memory_space<vmem>> -> memref<1x104xi32, #tpu.memory_space<vmem>>
      %dma_wait3A_61 = tpu.memref_squeeze %dma_wait3A_60 : memref<1x104xi32, #tpu.memory_space<vmem>> -> memref<104xi32, #tpu.memory_space<vmem>>
      %dma_wait3A_62 = arith.constant 0 : i32
      %dma_wait3A_63 = arith.constant 0 : i32
      %dma_wait3A_64 = tpu.memref_slice %arg2[%dma_wait3A_62, %dma_wait3A_63] : memref<100000x64xf32, #tpu.memory_space<hbm>> -> memref<100000x64xf32, #tpu.memory_space<hbm>>
      tpu.wait_indirect_dma semaphore(%arg19 : memref<!tpu.dma_semaphore, #tpu.memory_space<semaphore_mem>>) src(%dma_wait3A_64 : memref<100000x64xf32, #tpu.memory_space<hbm>>) dst(%arg11 : memref<104x64xf32, #tpu.memory_space<vmem>>)
      %dma_wait3A_65 = arith.constant 0 : i32
      %dma_wait3A_66 = arith.constant 0 : i32
      %dma_wait3A_67 = tpu.memref_slice %arg9[%dma_wait3A_65, %dma_wait3A_66] : memref<128x96xi32, #tpu.memory_space<vmem>> -> memref<1x96xi32, #tpu.memory_space<vmem>>
      %dma_wait3A_68 = tpu.memref_squeeze %dma_wait3A_67 : memref<1x96xi32, #tpu.memory_space<vmem>> -> memref<96xi32, #tpu.memory_space<vmem>>
      %dma_wait3A_69 = arith.constant 0 : i32
      %dma_wait3A_70 = arith.constant 0 : i32
      %dma_wait3A_71 = tpu.memref_slice %arg3[%dma_wait3A_69, %dma_wait3A_70] : memref<100000x64xf32, #tpu.memory_space<hbm>> -> memref<100000x64xf32, #tpu.memory_space<hbm>>
      tpu.wait_indirect_dma semaphore(%arg21 : memref<!tpu.dma_semaphore, #tpu.memory_space<semaphore_mem>>) src(%dma_wait3A_71 : memref<100000x64xf32, #tpu.memory_space<hbm>>) dst(%arg13 : memref<96x64xf32, #tpu.memory_space<vmem>>)
      %dma_wait3A_72 = arith.constant 0 : i32
      %dma_wait3A_73 = arith.constant 0 : i32
      %dma_wait3A_74 = tpu.memref_slice %arg10[%dma_wait3A_72, %dma_wait3A_73] : memref<128x96xi32, #tpu.memory_space<vmem>> -> memref<1x96xi32, #tpu.memory_space<vmem>>
      %dma_wait3A_75 = tpu.memref_squeeze %dma_wait3A_74 : memref<1x96xi32, #tpu.memory_space<vmem>> -> memref<96xi32, #tpu.memory_space<vmem>>
      %dma_wait3A_76 = arith.constant 0 : i32
      %dma_wait3A_77 = arith.constant 0 : i32
      %dma_wait3A_78 = tpu.memref_slice %arg2[%dma_wait3A_76, %dma_wait3A_77] : memref<100000x64xf32, #tpu.memory_space<hbm>> -> memref<100000x64xf32, #tpu.memory_space<hbm>>
      tpu.wait_indirect_dma semaphore(%arg23 : memref<!tpu.dma_semaphore, #tpu.memory_space<semaphore_mem>>) src(%dma_wait3A_78 : memref<100000x64xf32, #tpu.memory_space<hbm>>) dst(%arg15 : memref<96x64xf32, #tpu.memory_space<vmem>>)
      %dma_start3A_79 = arith.constant 0 : i32
      %dma_start3A_80 = tpu.memref_slice %arg7[%mul3A_58, %dma_start3A_79] : memref<819200x64xf32, #tpu.memory_space<hbm>> -> memref<104x64xf32, #tpu.memory_space<hbm>>
      %dma_start3A_81 = arith.constant 0 : i32
      %dma_start3A_82 = tpu.memref_slice %arg7[%mul3A_58, %dma_start3A_81] : memref<819200x64xf32, #tpu.memory_space<hbm>> -> memref<104x64xf32, #tpu.memory_space<hbm>>
      tpu.enqueue_dma source(%arg11 : memref<104x64xf32, #tpu.memory_space<vmem>>) target(%dma_start3A_82 : memref<104x64xf32, #tpu.memory_space<hbm>>) target_semaphore(%arg25 : memref<!tpu.dma_semaphore, #tpu.memory_space<semaphore_mem>>)
      %scan3A_83 = arith.constant 0 : i32
      %scan3A_84 = arith.constant 0 : i32
      %scan3A_85 = arith.constant 96 : i32
      %scan3A_86 = arith.addi %scan3A_84, %scan3A_85 : i32
      %scan3A_87 = arith.constant 1 : i32
      %scan3A_88 = scf.for %scan3A_171 = %scan3A_84 to %scan3A_86 step %scan3A_87 iter_args(%scan3A_172 = %scan3A_83) -> (i32)  : i32 {
        %get3A = arith.index_cast %scan3A_171 : i32 to index
        %get3A_173 = arith.constant 0 : index
        %get3A_174 = tpu.vector_load %arg13[%get3A, %get3A_173] {strides = array<i32>} : memref<96x64xf32, #tpu.memory_space<vmem>>, vector<1x16xf32>,
        %get3A_175 = vector.shape_cast %get3A_174 : vector<1x16xf32> to vector<16xf32>
        %get3A_176 = arith.index_cast %scan3A_171 : i32 to index
        %get3A_177 = arith.constant 0 : index
        %get3A_178 = tpu.vector_load %arg15[%get3A_176, %get3A_177] {strides = array<i32>} : memref<96x64xf32, #tpu.memory_space<vmem>>, vector<1x16xf32>,
        %get3A_179 = vector.shape_cast %get3A_178 : vector<1x16xf32> to vector<16xf32>
        %mul3A_180 = arith.constant 1.000000e-01 : f32
        %mul3A_181 = vector.broadcast %mul3A_180 : f32 to vector<16xf32>
        %mul3A_182 = arith.mulf %mul3A_181, %get3A_179 : vector<16xf32>
        %add3A_183 = arith.addf %get3A_175, %mul3A_182 : vector<16xf32>
        %swap3A = arith.index_cast %scan3A_171 : i32 to index
        %swap3A_184 = arith.constant 0 : index
        %swap3A_185 = tpu.vector_load %arg17[%swap3A, %swap3A_184] {strides = array<i32>} : memref<96x64xf32, #tpu.memory_space<vmem>>, vector<1x16xf32>,
        %swap3A_186 = vector.shape_cast %swap3A_185 : vector<1x16xf32> to vector<16xf32>
        %swap3A_187 = vector.shape_cast %add3A_183 : vector<16xf32> to vector<1x16xf32>
        tpu.vector_store %arg17[%swap3A, %swap3A_184], %swap3A_187 {strides = array<i32>} : memref<96x64xf32, #tpu.memory_space<vmem>>, vector<1x16xf32>,
        %get3A_188 = arith.index_cast %scan3A_171 : i32 to index
        %get3A_189 = arith.constant 16 : index
        %get3A_190 = tpu.vector_load %arg13[%get3A_188, %get3A_189] {strides = array<i32>} : memref<96x64xf32, #tpu.memory_space<vmem>>, vector<1x16xf32>,
        %get3A_191 = vector.shape_cast %get3A_190 : vector<1x16xf32> to vector<16xf32>
        %get3A_192 = arith.index_cast %scan3A_171 : i32 to index
        %get3A_193 = arith.constant 16 : index
        %get3A_194 = tpu.vector_load %arg15[%get3A_192, %get3A_193] {strides = array<i32>} : memref<96x64xf32, #tpu.memory_space<vmem>>, vector<1x16xf32>,
        %get3A_195 = vector.shape_cast %get3A_194 : vector<1x16xf32> to vector<16xf32>
        %mul3A_196 = arith.constant 1.000000e-01 : f32
        %mul3A_197 = vector.broadcast %mul3A_196 : f32 to vector<16xf32>
        %mul3A_198 = arith.mulf %mul3A_197, %get3A_195 : vector<16xf32>
        %add3A_199 = arith.addf %get3A_191, %mul3A_198 : vector<16xf32>
        %swap3A_200 = arith.index_cast %scan3A_171 : i32 to index
        %swap3A_201 = arith.constant 16 : index
        %swap3A_202 = tpu.vector_load %arg17[%swap3A_200, %swap3A_201] {strides = array<i32>} : memref<96x64xf32, #tpu.memory_space<vmem>>, vector<1x16xf32>,
        %swap3A_203 = vector.shape_cast %swap3A_202 : vector<1x16xf32> to vector<16xf32>
        %swap3A_204 = vector.shape_cast %add3A_199 : vector<16xf32> to vector<1x16xf32>
        tpu.vector_store %arg17[%swap3A_200, %swap3A_201], %swap3A_204 {strides = array<i32>} : memref<96x64xf32, #tpu.memory_space<vmem>>, vector<1x16xf32>,
        %get3A_205 = arith.index_cast %scan3A_171 : i32 to index
        %get3A_206 = arith.constant 32 : index
        %get3A_207 = tpu.vector_load %arg13[%get3A_205, %get3A_206] {strides = array<i32>} : memref<96x64xf32, #tpu.memory_space<vmem>>, vector<1x16xf32>,
        %get3A_208 = vector.shape_cast %get3A_207 : vector<1x16xf32> to vector<16xf32>
        %get3A_209 = arith.index_cast %scan3A_171 : i32 to index
        %get3A_210 = arith.constant 32 : index
        %get3A_211 = tpu.vector_load %arg15[%get3A_209, %get3A_210] {strides = array<i32>} : memref<96x64xf32, #tpu.memory_space<vmem>>, vector<1x16xf32>,
        %get3A_212 = vector.shape_cast %get3A_211 : vector<1x16xf32> to vector<16xf32>
        %mul3A_213 = arith.constant 1.000000e-01 : f32
        %mul3A_214 = vector.broadcast %mul3A_213 : f32 to vector<16xf32>
        %mul3A_215 = arith.mulf %mul3A_214, %get3A_212 : vector<16xf32>
        %add3A_216 = arith.addf %get3A_208, %mul3A_215 : vector<16xf32>
        %swap3A_217 = arith.index_cast %scan3A_171 : i32 to index
        %swap3A_218 = arith.constant 32 : index
        %swap3A_219 = tpu.vector_load %arg17[%swap3A_217, %swap3A_218] {strides = array<i32>} : memref<96x64xf32, #tpu.memory_space<vmem>>, vector<1x16xf32>,
        %swap3A_220 = vector.shape_cast %swap3A_219 : vector<1x16xf32> to vector<16xf32>
        %swap3A_221 = vector.shape_cast %add3A_216 : vector<16xf32> to vector<1x16xf32>
        tpu.vector_store %arg17[%swap3A_217, %swap3A_218], %swap3A_221 {strides = array<i32>} : memref<96x64xf32, #tpu.memory_space<vmem>>, vector<1x16xf32>,
        %get3A_222 = arith.index_cast %scan3A_171 : i32 to index
        %get3A_223 = arith.constant 48 : index
        %get3A_224 = tpu.vector_load %arg13[%get3A_222, %get3A_223] {strides = array<i32>} : memref<96x64xf32, #tpu.memory_space<vmem>>, vector<1x16xf32>,
        %get3A_225 = vector.shape_cast %get3A_224 : vector<1x16xf32> to vector<16xf32>
        %get3A_226 = arith.index_cast %scan3A_171 : i32 to index
        %get3A_227 = arith.constant 48 : index
        %get3A_228 = tpu.vector_load %arg15[%get3A_226, %get3A_227] {strides = array<i32>} : memref<96x64xf32, #tpu.memory_space<vmem>>, vector<1x16xf32>,
        %get3A_229 = vector.shape_cast %get3A_228 : vector<1x16xf32> to vector<16xf32>
        %mul3A_230 = arith.constant 1.000000e-01 : f32
        %mul3A_231 = vector.broadcast %mul3A_230 : f32 to vector<16xf32>
        %mul3A_232 = arith.mulf %mul3A_231, %get3A_229 : vector<16xf32>
        %add3A_233 = arith.addf %get3A_225, %mul3A_232 : vector<16xf32>
        %swap3A_234 = arith.index_cast %scan3A_171 : i32 to index
        %swap3A_235 = arith.constant 48 : index
        %swap3A_236 = tpu.vector_load %arg17[%swap3A_234, %swap3A_235] {strides = array<i32>} : memref<96x64xf32, #tpu.memory_space<vmem>>, vector<1x16xf32>,
        %swap3A_237 = vector.shape_cast %swap3A_236 : vector<1x16xf32> to vector<16xf32>
        %swap3A_238 = vector.shape_cast %add3A_233 : vector<16xf32> to vector<1x16xf32>
        tpu.vector_store %arg17[%swap3A_234, %swap3A_235], %swap3A_238 {strides = array<i32>} : memref<96x64xf32, #tpu.memory_space<vmem>>, vector<1x16xf32>,
        %scan3A_239 = arith.constant 0 : i32
        scf.yield %scan3A_239 : i32
      }
      %scan3A_89 = arith.constant 96 : i32
      %add3A_90 = arith.constant 104 : i32
      %add3A_91 = arith.addi %mul3A_58, %add3A_90 : i32
      %dma_start3A_92 = arith.constant 0 : i32
      %dma_start3A_93 = tpu.memref_slice %arg7[%add3A_91, %dma_start3A_92] : memref<819200x64xf32, #tpu.memory_space<hbm>> -> memref<96x64xf32, #tpu.memory_space<hbm>>
      %dma_start3A_94 = arith.constant 0 : i32
      %dma_start3A_95 = tpu.memref_slice %arg7[%add3A_91, %dma_start3A_94] : memref<819200x64xf32, #tpu.memory_space<hbm>> -> memref<96x64xf32, #tpu.memory_space<hbm>>
      tpu.enqueue_dma source(%arg17 : memref<96x64xf32, #tpu.memory_space<vmem>>) target(%dma_start3A_95 : memref<96x64xf32, #tpu.memory_space<hbm>>) target_semaphore(%arg27 : memref<!tpu.dma_semaphore, #tpu.memory_space<semaphore_mem>>)
      %add3A_96 = arith.addi %mul3A_2, %add3A_55 : i32
      %mul3A_97 = arith.constant 200 : i32
      %mul3A_98 = arith.muli %add3A_96, %mul3A_97 : i32
      %dma_wait3A_99 = arith.constant 0 : i32
      %dma_wait3A_100 = arith.constant 0 : i32
      %dma_wait3A_101 = tpu.memref_slice %arg8[%dma_wait3A_99, %dma_wait3A_100] : memref<128x104xi32, #tpu.memory_space<vmem>> -> memref<1x104xi32, #tpu.memory_space<vmem>>
      %dma_wait3A_102 = tpu.memref_squeeze %dma_wait3A_101 : memref<1x104xi32, #tpu.memory_space<vmem>> -> memref<104xi32, #tpu.memory_space<vmem>>
      %dma_wait3A_103 = arith.constant 0 : i32
      %dma_wait3A_104 = arith.constant 0 : i32
      %dma_wait3A_105 = tpu.memref_slice %arg2[%dma_wait3A_103, %dma_wait3A_104] : memref<100000x64xf32, #tpu.memory_space<hbm>> -> memref<100000x64xf32, #tpu.memory_space<hbm>>
      tpu.wait_indirect_dma semaphore(%arg20 : memref<!tpu.dma_semaphore, #tpu.memory_space<semaphore_mem>>) src(%dma_wait3A_105 : memref<100000x64xf32, #tpu.memory_space<hbm>>) dst(%arg12 : memref<104x64xf32, #tpu.memory_space<vmem>>)
      %dma_wait3A_106 = arith.constant 0 : i32
      %dma_wait3A_107 = arith.constant 0 : i32
      %dma_wait3A_108 = tpu.memref_slice %arg9[%dma_wait3A_106, %dma_wait3A_107] : memref<128x96xi32, #tpu.memory_space<vmem>> -> memref<1x96xi32, #tpu.memory_space<vmem>>
      %dma_wait3A_109 = tpu.memref_squeeze %dma_wait3A_108 : memref<1x96xi32, #tpu.memory_space<vmem>> -> memref<96xi32, #tpu.memory_space<vmem>>
      %dma_wait3A_110 = arith.constant 0 : i32
      %dma_wait3A_111 = arith.constant 0 : i32
      %dma_wait3A_112 = tpu.memref_slice %arg3[%dma_wait3A_110, %dma_wait3A_111] : memref<100000x64xf32, #tpu.memory_space<hbm>> -> memref<100000x64xf32, #tpu.memory_space<hbm>>
      tpu.wait_indirect_dma semaphore(%arg22 : memref<!tpu.dma_semaphore, #tpu.memory_space<semaphore_mem>>) src(%dma_wait3A_112 : memref<100000x64xf32, #tpu.memory_space<hbm>>) dst(%arg14 : memref<96x64xf32, #tpu.memory_space<vmem>>)
      %dma_wait3A_113 = arith.constant 0 : i32
      %dma_wait3A_114 = arith.constant 0 : i32
      %dma_wait3A_115 = tpu.memref_slice %arg10[%dma_wait3A_113, %dma_wait3A_114] : memref<128x96xi32, #tpu.memory_space<vmem>> -> memref<1x96xi32, #tpu.memory_space<vmem>>
      %dma_wait3A_116 = tpu.memref_squeeze %dma_wait3A_115 : memref<1x96xi32, #tpu.memory_space<vmem>> -> memref<96xi32, #tpu.memory_space<vmem>>
      %dma_wait3A_117 = arith.constant 0 : i32
      %dma_wait3A_118 = arith.constant 0 : i32
      %dma_wait3A_119 = tpu.memref_slice %arg2[%dma_wait3A_117, %dma_wait3A_118] : memref<100000x64xf32, #tpu.memory_space<hbm>> -> memref<100000x64xf32, #tpu.memory_space<hbm>>
      tpu.wait_indirect_dma semaphore(%arg24 : memref<!tpu.dma_semaphore, #tpu.memory_space<semaphore_mem>>) src(%dma_wait3A_119 : memref<100000x64xf32, #tpu.memory_space<hbm>>) dst(%arg16 : memref<96x64xf32, #tpu.memory_space<vmem>>)
      %dma_start3A_120 = arith.constant 0 : i32
      %dma_start3A_121 = tpu.memref_slice %arg7[%mul3A_98, %dma_start3A_120] : memref<819200x64xf32, #tpu.memory_space<hbm>> -> memref<104x64xf32, #tpu.memory_space<hbm>>
      %dma_start3A_122 = arith.constant 0 : i32
      %dma_start3A_123 = tpu.memref_slice %arg7[%mul3A_98, %dma_start3A_122] : memref<819200x64xf32, #tpu.memory_space<hbm>> -> memref<104x64xf32, #tpu.memory_space<hbm>>
      tpu.enqueue_dma source(%arg12 : memref<104x64xf32, #tpu.memory_space<vmem>>) target(%dma_start3A_123 : memref<104x64xf32, #tpu.memory_space<hbm>>) target_semaphore(%arg26 : memref<!tpu.dma_semaphore, #tpu.memory_space<semaphore_mem>>)
      %scan3A_124 = arith.constant 0 : i32
      %scan3A_125 = arith.constant 0 : i32
      %scan3A_126 = arith.constant 96 : i32
      %scan3A_127 = arith.addi %scan3A_125, %scan3A_126 : i32
      %scan3A_128 = arith.constant 1 : i32
      %scan3A_129 = scf.for %scan3A_171 = %scan3A_125 to %scan3A_127 step %scan3A_128 iter_args(%scan3A_172 = %scan3A_124) -> (i32)  : i32 {
        %get3A = arith.index_cast %scan3A_171 : i32 to index
        %get3A_173 = arith.constant 0 : index
        %get3A_174 = tpu.vector_load %arg14[%get3A, %get3A_173] {strides = array<i32>} : memref<96x64xf32, #tpu.memory_space<vmem>>, vector<1x16xf32>,
        %get3A_175 = vector.shape_cast %get3A_174 : vector<1x16xf32> to vector<16xf32>
        %get3A_176 = arith.index_cast %scan3A_171 : i32 to index
        %get3A_177 = arith.constant 0 : index
        %get3A_178 = tpu.vector_load %arg16[%get3A_176, %get3A_177] {strides = array<i32>} : memref<96x64xf32, #tpu.memory_space<vmem>>, vector<1x16xf32>,
        %get3A_179 = vector.shape_cast %get3A_178 : vector<1x16xf32> to vector<16xf32>
        %mul3A_180 = arith.constant 1.000000e-01 : f32
        %mul3A_181 = vector.broadcast %mul3A_180 : f32 to vector<16xf32>
        %mul3A_182 = arith.mulf %mul3A_181, %get3A_179 : vector<16xf32>
        %add3A_183 = arith.addf %get3A_175, %mul3A_182 : vector<16xf32>
        %swap3A = arith.index_cast %scan3A_171 : i32 to index
        %swap3A_184 = arith.constant 0 : index
        %swap3A_185 = tpu.vector_load %arg18[%swap3A, %swap3A_184] {strides = array<i32>} : memref<96x64xf32, #tpu.memory_space<vmem>>, vector<1x16xf32>,
        %swap3A_186 = vector.shape_cast %swap3A_185 : vector<1x16xf32> to vector<16xf32>
        %swap3A_187 = vector.shape_cast %add3A_183 : vector<16xf32> to vector<1x16xf32>
        tpu.vector_store %arg18[%swap3A, %swap3A_184], %swap3A_187 {strides = array<i32>} : memref<96x64xf32, #tpu.memory_space<vmem>>, vector<1x16xf32>,
        %get3A_188 = arith.index_cast %scan3A_171 : i32 to index
        %get3A_189 = arith.constant 16 : index
        %get3A_190 = tpu.vector_load %arg14[%get3A_188, %get3A_189] {strides = array<i32>} : memref<96x64xf32, #tpu.memory_space<vmem>>, vector<1x16xf32>,
        %get3A_191 = vector.shape_cast %get3A_190 : vector<1x16xf32> to vector<16xf32>
        %get3A_192 = arith.index_cast %scan3A_171 : i32 to index
        %get3A_193 = arith.constant 16 : index
        %get3A_194 = tpu.vector_load %arg16[%get3A_192, %get3A_193] {strides = array<i32>} : memref<96x64xf32, #tpu.memory_space<vmem>>, vector<1x16xf32>,
        %get3A_195 = vector.shape_cast %get3A_194 : vector<1x16xf32> to vector<16xf32>
        %mul3A_196 = arith.constant 1.000000e-01 : f32
        %mul3A_197 = vector.broadcast %mul3A_196 : f32 to vector<16xf32>
        %mul3A_198 = arith.mulf %mul3A_197, %get3A_195 : vector<16xf32>
        %add3A_199 = arith.addf %get3A_191, %mul3A_198 : vector<16xf32>
        %swap3A_200 = arith.index_cast %scan3A_171 : i32 to index
        %swap3A_201 = arith.constant 16 : index
        %swap3A_202 = tpu.vector_load %arg18[%swap3A_200, %swap3A_201] {strides = array<i32>} : memref<96x64xf32, #tpu.memory_space<vmem>>, vector<1x16xf32>,
        %swap3A_203 = vector.shape_cast %swap3A_202 : vector<1x16xf32> to vector<16xf32>
        %swap3A_204 = vector.shape_cast %add3A_199 : vector<16xf32> to vector<1x16xf32>
        tpu.vector_store %arg18[%swap3A_200, %swap3A_201], %swap3A_204 {strides = array<i32>} : memref<96x64xf32, #tpu.memory_space<vmem>>, vector<1x16xf32>,
        %get3A_205 = arith.index_cast %scan3A_171 : i32 to index
        %get3A_206 = arith.constant 32 : index
        %get3A_207 = tpu.vector_load %arg14[%get3A_205, %get3A_206] {strides = array<i32>} : memref<96x64xf32, #tpu.memory_space<vmem>>, vector<1x16xf32>,
        %get3A_208 = vector.shape_cast %get3A_207 : vector<1x16xf32> to vector<16xf32>
        %get3A_209 = arith.index_cast %scan3A_171 : i32 to index
        %get3A_210 = arith.constant 32 : index
        %get3A_211 = tpu.vector_load %arg16[%get3A_209, %get3A_210] {strides = array<i32>} : memref<96x64xf32, #tpu.memory_space<vmem>>, vector<1x16xf32>,
        %get3A_212 = vector.shape_cast %get3A_211 : vector<1x16xf32> to vector<16xf32>
        %mul3A_213 = arith.constant 1.000000e-01 : f32
        %mul3A_214 = vector.broadcast %mul3A_213 : f32 to vector<16xf32>
        %mul3A_215 = arith.mulf %mul3A_214, %get3A_212 : vector<16xf32>
        %add3A_216 = arith.addf %get3A_208, %mul3A_215 : vector<16xf32>
        %swap3A_217 = arith.index_cast %scan3A_171 : i32 to index
        %swap3A_218 = arith.constant 32 : index
        %swap3A_219 = tpu.vector_load %arg18[%swap3A_217, %swap3A_218] {strides = array<i32>} : memref<96x64xf32, #tpu.memory_space<vmem>>, vector<1x16xf32>,
        %swap3A_220 = vector.shape_cast %swap3A_219 : vector<1x16xf32> to vector<16xf32>
        %swap3A_221 = vector.shape_cast %add3A_216 : vector<16xf32> to vector<1x16xf32>
        tpu.vector_store %arg18[%swap3A_217, %swap3A_218], %swap3A_221 {strides = array<i32>} : memref<96x64xf32, #tpu.memory_space<vmem>>, vector<1x16xf32>,
        %get3A_222 = arith.index_cast %scan3A_171 : i32 to index
        %get3A_223 = arith.constant 48 : index
        %get3A_224 = tpu.vector_load %arg14[%get3A_222, %get3A_223] {strides = array<i32>} : memref<96x64xf32, #tpu.memory_space<vmem>>, vector<1x16xf32>,
        %get3A_225 = vector.shape_cast %get3A_224 : vector<1x16xf32> to vector<16xf32>
        %get3A_226 = arith.index_cast %scan3A_171 : i32 to index
        %get3A_227 = arith.constant 48 : index
        %get3A_228 = tpu.vector_load %arg16[%get3A_226, %get3A_227] {strides = array<i32>} : memref<96x64xf32, #tpu.memory_space<vmem>>, vector<1x16xf32>,
        %get3A_229 = vector.shape_cast %get3A_228 : vector<1x16xf32> to vector<16xf32>
        %mul3A_230 = arith.constant 1.000000e-01 : f32
        %mul3A_231 = vector.broadcast %mul3A_230 : f32 to vector<16xf32>
        %mul3A_232 = arith.mulf %mul3A_231, %get3A_229 : vector<16xf32>
        %add3A_233 = arith.addf %get3A_225, %mul3A_232 : vector<16xf32>
        %swap3A_234 = arith.index_cast %scan3A_171 : i32 to index
        %swap3A_235 = arith.constant 48 : index
        %swap3A_236 = tpu.vector_load %arg18[%swap3A_234, %swap3A_235] {strides = array<i32>} : memref<96x64xf32, #tpu.memory_space<vmem>>, vector<1x16xf32>,
        %swap3A_237 = vector.shape_cast %swap3A_236 : vector<1x16xf32> to vector<16xf32>
        %swap3A_238 = vector.shape_cast %add3A_233 : vector<16xf32> to vector<1x16xf32>
        tpu.vector_store %arg18[%swap3A_234, %swap3A_235], %swap3A_238 {strides = array<i32>} : memref<96x64xf32, #tpu.memory_space<vmem>>, vector<1x16xf32>,
        %scan3A_239 = arith.constant 0 : i32
        scf.yield %scan3A_239 : i32
      }
      %scan3A_130 = arith.constant 96 : i32
      %add3A_131 = arith.constant 104 : i32
      %add3A_132 = arith.addi %mul3A_98, %add3A_131 : i32
      %dma_start3A_133 = arith.constant 0 : i32
      %dma_start3A_134 = tpu.memref_slice %arg7[%add3A_132, %dma_start3A_133] : memref<819200x64xf32, #tpu.memory_space<hbm>> -> memref<96x64xf32, #tpu.memory_space<hbm>>
      %dma_start3A_135 = arith.constant 0 : i32
      %dma_start3A_136 = tpu.memref_slice %arg7[%add3A_132, %dma_start3A_135] : memref<819200x64xf32, #tpu.memory_space<hbm>> -> memref<96x64xf32, #tpu.memory_space<hbm>>
      tpu.enqueue_dma source(%arg18 : memref<96x64xf32, #tpu.memory_space<vmem>>) target(%dma_start3A_136 : memref<96x64xf32, #tpu.memory_space<hbm>>) target_semaphore(%arg28 : memref<!tpu.dma_semaphore, #tpu.memory_space<semaphore_mem>>)
      %add3A_137 = arith.addi %mul3A_2, %mul3A_53 : i32
      %mul3A_138 = arith.constant 200 : i32
      %mul3A_139 = arith.muli %add3A_137, %mul3A_138 : i32
      %dma_wait3A_140 = arith.constant 0 : i32
      %dma_wait3A_141 = tpu.memref_slice %arg7[%mul3A_139, %dma_wait3A_140] : memref<819200x64xf32, #tpu.memory_space<hbm>> -> memref<104x64xf32, #tpu.memory_space<hbm>>
      %dma_wait3A_142 = arith.constant 0 : i32
      %dma_wait3A_143 = tpu.memref_slice %arg7[%mul3A_139, %dma_wait3A_142] : memref<819200x64xf32, #tpu.memory_space<hbm>> -> memref<104x64xf32, #tpu.memory_space<hbm>>
      tpu.wait_dma2 semaphore(%arg25 : memref<!tpu.dma_semaphore, #tpu.memory_space<semaphore_mem>>) src(%arg11 : memref<104x64xf32, #tpu.memory_space<vmem>>) dst(%dma_wait3A_143 : memref<104x64xf32, #tpu.memory_space<hbm>>)
      %add3A_144 = arith.constant 104 : i32
      %add3A_145 = arith.addi %mul3A_139, %add3A_144 : i32
      %dma_wait3A_146 = arith.constant 0 : i32
      %dma_wait3A_147 = tpu.memref_slice %arg7[%add3A_145, %dma_wait3A_146] : memref<819200x64xf32, #tpu.memory_space<hbm>> -> memref<96x64xf32, #tpu.memory_space<hbm>>
      %dma_wait3A_148 = arith.constant 0 : i32
      %dma_wait3A_149 = tpu.memref_slice %arg7[%add3A_145, %dma_wait3A_148] : memref<819200x64xf32, #tpu.memory_space<hbm>> -> memref<96x64xf32, #tpu.memory_space<hbm>>
      tpu.wait_dma2 semaphore(%arg27 : memref<!tpu.dma_semaphore, #tpu.memory_space<semaphore_mem>>) src(%arg17 : memref<96x64xf32, #tpu.memory_space<vmem>>) dst(%dma_wait3A_149 : memref<96x64xf32, #tpu.memory_space<hbm>>)
      %lt3A = arith.constant 63 : i32
      %lt3A_150 = arith.cmpi slt, %scan3A_50, %lt3A : i32
      %convert_element_type3A = arith.extui %lt3A_150 : i1 to i32
      %cond3A = arith.constant 0 : i32
      %cond3A_151 = arith.cmpi ne, %convert_element_type3A, %cond3A : i32
      scf.if %cond3A_151 {
        %add3A_171 = arith.constant 2 : i32
        %add3A_172 = arith.addi %mul3A_53, %add3A_171 : i32
        %dma_start3A_173 = arith.constant 0 : i32
        %dma_start3A_174 = tpu.memref_slice %arg8[%add3A_172, %dma_start3A_173] : memref<128x104xi32, #tpu.memory_space<vmem>> -> memref<1x104xi32, #tpu.memory_space<vmem>>
        %dma_start3A_175 = tpu.memref_squeeze %dma_start3A_174 : memref<1x104xi32, #tpu.memory_space<vmem>> -> memref<104xi32, #tpu.memory_space<vmem>>
        %dma_start3A_176 = arith.constant 0 : i32
        %dma_start3A_177 = arith.constant 0 : i32
        %dma_start3A_178 = tpu.memref_slice %arg2[%dma_start3A_176, %dma_start3A_177] : memref<100000x64xf32, #tpu.memory_space<hbm>> -> memref<100000x64xf32, #tpu.memory_space<hbm>>
        tpu.enqueue_indirect_dma source(%dma_start3A_178 : memref<100000x64xf32, #tpu.memory_space<hbm>>) target(%arg11 : memref<104x64xf32, #tpu.memory_space<vmem>>) offsets(%dma_start3A_175 : memref<104xi32, #tpu.memory_space<vmem>>) semaphore(%arg19 : memref<!tpu.dma_semaphore, #tpu.memory_space<semaphore_mem>>)
        %dma_start3A_179 = arith.constant 0 : i32
        %dma_start3A_180 = tpu.memref_slice %arg9[%add3A_172, %dma_start3A_179] : memref<128x96xi32, #tpu.memory_space<vmem>> -> memref<1x96xi32, #tpu.memory_space<vmem>>
        %dma_start3A_181 = tpu.memref_squeeze %dma_start3A_180 : memref<1x96xi32, #tpu.memory_space<vmem>> -> memref<96xi32, #tpu.memory_space<vmem>>
        %dma_start3A_182 = arith.constant 0 : i32
        %dma_start3A_183 = arith.constant 0 : i32
        %dma_start3A_184 = tpu.memref_slice %arg3[%dma_start3A_182, %dma_start3A_183] : memref<100000x64xf32, #tpu.memory_space<hbm>> -> memref<100000x64xf32, #tpu.memory_space<hbm>>
        tpu.enqueue_indirect_dma source(%dma_start3A_184 : memref<100000x64xf32, #tpu.memory_space<hbm>>) target(%arg13 : memref<96x64xf32, #tpu.memory_space<vmem>>) offsets(%dma_start3A_181 : memref<96xi32, #tpu.memory_space<vmem>>) semaphore(%arg21 : memref<!tpu.dma_semaphore, #tpu.memory_space<semaphore_mem>>)
        %dma_start3A_185 = arith.constant 0 : i32
        %dma_start3A_186 = tpu.memref_slice %arg10[%add3A_172, %dma_start3A_185] : memref<128x96xi32, #tpu.memory_space<vmem>> -> memref<1x96xi32, #tpu.memory_space<vmem>>
        %dma_start3A_187 = tpu.memref_squeeze %dma_start3A_186 : memref<1x96xi32, #tpu.memory_space<vmem>> -> memref<96xi32, #tpu.memory_space<vmem>>
        %dma_start3A_188 = arith.constant 0 : i32
        %dma_start3A_189 = arith.constant 0 : i32
        %dma_start3A_190 = tpu.memref_slice %arg2[%dma_start3A_188, %dma_start3A_189] : memref<100000x64xf32, #tpu.memory_space<hbm>> -> memref<100000x64xf32, #tpu.memory_space<hbm>>
        tpu.enqueue_indirect_dma source(%dma_start3A_190 : memref<100000x64xf32, #tpu.memory_space<hbm>>) target(%arg15 : memref<96x64xf32, #tpu.memory_space<vmem>>) offsets(%dma_start3A_187 : memref<96xi32, #tpu.memory_space<vmem>>) semaphore(%arg23 : memref<!tpu.dma_semaphore, #tpu.memory_space<semaphore_mem>>)
      } else {
      }
      %add3A_152 = arith.addi %mul3A_2, %add3A_55 : i32
      %mul3A_153 = arith.constant 200 : i32
      %mul3A_154 = arith.muli %add3A_152, %mul3A_153 : i32
      %dma_wait3A_155 = arith.constant 0 : i32
      %dma_wait3A_156 = tpu.memref_slice %arg7[%mul3A_154, %dma_wait3A_155] : memref<819200x64xf32, #tpu.memory_space<hbm>> -> memref<104x64xf32, #tpu.memory_space<hbm>>
      %dma_wait3A_157 = arith.constant 0 : i32
      %dma_wait3A_158 = tpu.memref_slice %arg7[%mul3A_154, %dma_wait3A_157] : memref<819200x64xf32, #tpu.memory_space<hbm>> -> memref<104x64xf32, #tpu.memory_space<hbm>>
      tpu.wait_dma2 semaphore(%arg26 : memref<!tpu.dma_semaphore, #tpu.memory_space<semaphore_mem>>) src(%arg12 : memref<104x64xf32, #tpu.memory_space<vmem>>) dst(%dma_wait3A_158 : memref<104x64xf32, #tpu.memory_space<hbm>>)
      %add3A_159 = arith.constant 104 : i32
      %add3A_160 = arith.addi %mul3A_154, %add3A_159 : i32
      %dma_wait3A_161 = arith.constant 0 : i32
      %dma_wait3A_162 = tpu.memref_slice %arg7[%add3A_160, %dma_wait3A_161] : memref<819200x64xf32, #tpu.memory_space<hbm>> -> memref<96x64xf32, #tpu.memory_space<hbm>>
      %dma_wait3A_163 = arith.constant 0 : i32
      %dma_wait3A_164 = tpu.memref_slice %arg7[%add3A_160, %dma_wait3A_163] : memref<819200x64xf32, #tpu.memory_space<hbm>> -> memref<96x64xf32, #tpu.memory_space<hbm>>
      tpu.wait_dma2 semaphore(%arg28 : memref<!tpu.dma_semaphore, #tpu.memory_space<semaphore_mem>>) src(%arg18 : memref<96x64xf32, #tpu.memory_space<vmem>>) dst(%dma_wait3A_164 : memref<96x64xf32, #tpu.memory_space<hbm>>)
      %lt3A_165 = arith.constant 63 : i32
      %lt3A_166 = arith.cmpi slt, %scan3A_50, %lt3A_165 : i32
      %convert_element_type3A_167 = arith.extui %lt3A_166 : i1 to i32
      %cond3A_168 = arith.constant 0 : i32
      %cond3A_169 = arith.cmpi ne, %convert_element_type3A_167, %cond3A_168 : i32
      scf.if %cond3A_169 {
        %add3A_171 = arith.constant 2 : i32
        %add3A_172 = arith.addi %add3A_55, %add3A_171 : i32
        %dma_start3A_173 = arith.constant 0 : i32
        %dma_start3A_174 = tpu.memref_slice %arg8[%add3A_172, %dma_start3A_173] : memref<128x104xi32, #tpu.memory_space<vmem>> -> memref<1x104xi32, #tpu.memory_space<vmem>>
        %dma_start3A_175 = tpu.memref_squeeze %dma_start3A_174 : memref<1x104xi32, #tpu.memory_space<vmem>> -> memref<104xi32, #tpu.memory_space<vmem>>
        %dma_start3A_176 = arith.constant 0 : i32
        %dma_start3A_177 = arith.constant 0 : i32
        %dma_start3A_178 = tpu.memref_slice %arg2[%dma_start3A_176, %dma_start3A_177] : memref<100000x64xf32, #tpu.memory_space<hbm>> -> memref<100000x64xf32, #tpu.memory_space<hbm>>
        tpu.enqueue_indirect_dma source(%dma_start3A_178 : memref<100000x64xf32, #tpu.memory_space<hbm>>) target(%arg12 : memref<104x64xf32, #tpu.memory_space<vmem>>) offsets(%dma_start3A_175 : memref<104xi32, #tpu.memory_space<vmem>>) semaphore(%arg20 : memref<!tpu.dma_semaphore, #tpu.memory_space<semaphore_mem>>)
        %dma_start3A_179 = arith.constant 0 : i32
        %dma_start3A_180 = tpu.memref_slice %arg9[%add3A_172, %dma_start3A_179] : memref<128x96xi32, #tpu.memory_space<vmem>> -> memref<1x96xi32, #tpu.memory_space<vmem>>
        %dma_start3A_181 = tpu.memref_squeeze %dma_start3A_180 : memref<1x96xi32, #tpu.memory_space<vmem>> -> memref<96xi32, #tpu.memory_space<vmem>>
        %dma_start3A_182 = arith.constant 0 : i32
        %dma_start3A_183 = arith.constant 0 : i32
        %dma_start3A_184 = tpu.memref_slice %arg3[%dma_start3A_182, %dma_start3A_183] : memref<100000x64xf32, #tpu.memory_space<hbm>> -> memref<100000x64xf32, #tpu.memory_space<hbm>>
        tpu.enqueue_indirect_dma source(%dma_start3A_184 : memref<100000x64xf32, #tpu.memory_space<hbm>>) target(%arg14 : memref<96x64xf32, #tpu.memory_space<vmem>>) offsets(%dma_start3A_181 : memref<96xi32, #tpu.memory_space<vmem>>) semaphore(%arg22 : memref<!tpu.dma_semaphore, #tpu.memory_space<semaphore_mem>>)
        %dma_start3A_185 = arith.constant 0 : i32
        %dma_start3A_186 = tpu.memref_slice %arg10[%add3A_172, %dma_start3A_185] : memref<128x96xi32, #tpu.memory_space<vmem>> -> memref<1x96xi32, #tpu.memory_space<vmem>>
        %dma_start3A_187 = tpu.memref_squeeze %dma_start3A_186 : memref<1x96xi32, #tpu.memory_space<vmem>> -> memref<96xi32, #tpu.memory_space<vmem>>
        %dma_start3A_188 = arith.constant 0 : i32
        %dma_start3A_189 = arith.constant 0 : i32
        %dma_start3A_190 = tpu.memref_slice %arg2[%dma_start3A_188, %dma_start3A_189] : memref<100000x64xf32, #tpu.memory_space<hbm>> -> memref<100000x64xf32, #tpu.memory_space<hbm>>
        tpu.enqueue_indirect_dma source(%dma_start3A_190 : memref<100000x64xf32, #tpu.memory_space<hbm>>) target(%arg16 : memref<96x64xf32, #tpu.memory_space<vmem>>) offsets(%dma_start3A_187 : memref<96xi32, #tpu.memory_space<vmem>>) semaphore(%arg24 : memref<!tpu.dma_semaphore, #tpu.memory_space<semaphore_mem>>)
      } else {
      }
      %scan3A_170 = arith.constant 0 : i32
      scf.yield %scan3A_170 : i32
    }
    %scan3A_49 = arith.constant 64 : i32
    return
  }
}

module attributes {stable_mosaic.version = 14 : i64} {
  func.func @_combine_t_body(%arg0: i32, %arg1: memref<64x4096xf32, #tpu.memory_space<vmem>>, %arg2: memref<64x4096xf32, #tpu.memory_space<vmem>>, %arg3: memref<64x4096xf32, #tpu.memory_space<vmem>>, %arg4: memref<1x4096xf32, #tpu.memory_space<vmem>>, %arg5: memref<1x4096xf32, #tpu.memory_space<vmem>>, %arg6: memref<4096x64xf32, #tpu.memory_space<vmem>>, %arg7: memref<4096x64xf32, #tpu.memory_space<vmem>>) attributes {dimension_semantics = [#tpu.dimension_semantics<arbitrary>], iteration_bounds = array<i64: 25>, scalar_prefetch = 0 : i64, scratch_operands = 0 : i64, tpu.core_type = #tpu.core_type<tc>, window_params = [{transform_indices = @transform_0, window_bounds = array<i64: 64, 4096>}, {transform_indices = @transform_1, window_bounds = array<i64: 64, 4096>}, {transform_indices = @transform_2, window_bounds = array<i64: 64, 4096>}, {transform_indices = @transform_3, window_bounds = array<i64: 1, 4096>}, {transform_indices = @transform_4, window_bounds = array<i64: 1, 4096>}, {transform_indices = @transform_5, window_bounds = array<i64: 4096, 64>}, {transform_indices = @transform_6, window_bounds = array<i64: 4096, 64>}]} {
    %get3A = arith.constant 0 : index
    %get3A_0 = arith.constant 0 : index
    %get3A_1 = vector.load %arg4[%get3A, %get3A_0] : memref<1x4096xf32, #tpu.memory_space<vmem>>, vector<1x4096xf32>
    %get3A_2 = arith.constant 0 : index
    %get3A_3 = arith.constant 0 : index
    %get3A_4 = vector.load %arg5[%get3A_2, %get3A_3] : memref<1x4096xf32, #tpu.memory_space<vmem>>, vector<1x4096xf32>
    %add3A = arith.addf %get3A_1, %get3A_4 : vector<1x4096xf32>
    %sqrt3A = math.sqrt %add3A : vector<1x4096xf32>
    %add3A_5 = arith.constant 1.000000e+00 : f32
    %add3A_6 = vector.broadcast %add3A_5 : f32 to vector<1x4096xf32>
    %add3A_7 = arith.addf %sqrt3A, %add3A_6 : vector<1x4096xf32>
    %div3A = arith.constant 2.000000e-01 : f32
    %div3A_8 = vector.broadcast %div3A : f32 to vector<1x4096xf32>
    %div3A_9 = arith.divf %div3A_8, %add3A_7 : vector<1x4096xf32>
    %get3A_10 = arith.constant 0 : index
    %get3A_11 = arith.constant 0 : index
    %get3A_12 = vector.load %arg1[%get3A_10, %get3A_11] : memref<64x4096xf32, #tpu.memory_space<vmem>>, vector<64x4096xf32>
    %get3A_13 = arith.constant 0 : index
    %get3A_14 = arith.constant 0 : index
    %get3A_15 = vector.load %arg3[%get3A_13, %get3A_14] : memref<64x4096xf32, #tpu.memory_space<vmem>>, vector<64x4096xf32>
    %mul3A = vector.broadcast %div3A_9 : vector<1x4096xf32> to vector<64x4096xf32>
    %mul3A_16 = arith.mulf %mul3A, %get3A_15 : vector<64x4096xf32>
    %add3A_17 = arith.addf %get3A_12, %mul3A_16 : vector<64x4096xf32>
    %transpose3A = tpu.transpose %add3A_17, [1, 0] : vector<64x4096xf32> -> vector<4096x64xf32>
    %swap3A = arith.constant 0 : index
    %swap3A_18 = arith.constant 0 : index
    %swap3A_19 = vector.load %arg7[%swap3A, %swap3A_18] : memref<4096x64xf32, #tpu.memory_space<vmem>>, vector<4096x64xf32>
    tpu.vector_store %arg7[%swap3A, %swap3A_18], %transpose3A {strides = array<i32>} : memref<4096x64xf32, #tpu.memory_space<vmem>>, vector<4096x64xf32>,
    %get3A_20 = arith.constant 0 : index
    %get3A_21 = arith.constant 0 : index
    %get3A_22 = vector.load %arg2[%get3A_20, %get3A_21] : memref<64x4096xf32, #tpu.memory_space<vmem>>, vector<64x4096xf32>
    %mul3A_23 = arith.constant 1.000000e-01 : f32
    %mul3A_24 = vector.broadcast %mul3A_23 : f32 to vector<64x4096xf32>
    %mul3A_25 = arith.mulf %mul3A_24, %get3A_22 : vector<64x4096xf32>
    %add3A_26 = arith.addf %add3A_17, %mul3A_25 : vector<64x4096xf32>
    %transpose3A_27 = tpu.transpose %add3A_26, [1, 0] : vector<64x4096xf32> -> vector<4096x64xf32>
    %swap3A_28 = arith.constant 0 : index
    %swap3A_29 = arith.constant 0 : index
    %swap3A_30 = vector.load %arg6[%swap3A_28, %swap3A_29] : memref<4096x64xf32, #tpu.memory_space<vmem>>, vector<4096x64xf32>
    tpu.vector_store %arg6[%swap3A_28, %swap3A_29], %transpose3A_27 {strides = array<i32>} : memref<4096x64xf32, #tpu.memory_space<vmem>>, vector<4096x64xf32>,
    return
  }
  func.func @transform_0(%arg0: i32) -> (i32, i32) {
    %c0_i32 = arith.constant 0 : i32
    %c0_i32_0 = arith.constant 0 : i32
    return %c0_i32, %arg0 : i32, i32
  }
  func.func @transform_1(%arg0: i32) -> (i32, i32) {
    %c0_i32 = arith.constant 0 : i32
    %c0_i32_0 = arith.constant 0 : i32
    return %c0_i32, %arg0 : i32, i32
  }
  func.func @transform_2(%arg0: i32) -> (i32, i32) {
    %c0_i32 = arith.constant 0 : i32
    %c0_i32_0 = arith.constant 0 : i32
    return %c0_i32, %arg0 : i32, i32
  }
  func.func @transform_3(%arg0: i32) -> (i32, i32) {
    %c0_i32 = arith.constant 0 : i32
    %c0_i32_0 = arith.constant 0 : i32
    return %c0_i32, %arg0 : i32, i32
  }
  func.func @transform_4(%arg0: i32) -> (i32, i32) {
    %c0_i32 = arith.constant 0 : i32
    %c0_i32_0 = arith.constant 0 : i32
    return %c0_i32, %arg0 : i32, i32
  }
  func.func @transform_5(%arg0: i32) -> (i32, i32) {
    %c0_i32 = arith.constant 0 : i32
    %c0_i32_0 = arith.constant 0 : i32
    return %arg0, %c0_i32 : i32, i32
  }
  func.func @transform_6(%arg0: i32) -> (i32, i32) {
    %c0_i32 = arith.constant 0 : i32
    %c0_i32_0 = arith.constant 0 : i32
    return %arg0, %c0_i32 : i32, i32
  }
}

</mosaic_0001>

<sc_bundles>
// kernel: kernel.5.cloned.1.call-start
scs
__scs_entry_jumppad:
0x0: {  	(pc) =	sbr.rel $0x88, $3  }
0x1: {  	(tag) =	ssettag $0x0;
	lr =	simm.s32 $0x1  }
0x2: {  	[smem:$0x3F9D] =	sst lr;
	_ =	strace $0xD0000000  }
0x3: {  	_ = 	snop  }
0x4: {  	_ = 	snop  }
0x5: {  	_ = 	snop  }
0x6: {  	_ = 	snop  }
0x7: {  	_ = 	snop  }
__scs_overlays_trampoline_lowered:
0x8: {  	[smem:$0x3FAC] =	sst s0  }
0x9: {  	[smem:$0x3FAD] =	sst s1  }
0xa: {  	[smem:$0x3FAE] =	sst s2  }
0xb: {  	[smem:$0x3FAF] =	sst s3  }
0xc: {  	[smem:$0x3FB0] =	sst s4  }
0xd: {  	[smem:$0x3FB1] =	sst s5  }
0xe: {  	[smem:$0x3FB2] =	sst s6  }
0xf: {  	[smem:$0x3FB3] =	sst s7  }
0x10: {  	[smem:$0x3FB4] =	sst s8  }
0x11: {  	[smem:$0x3FB5] =	sst s9;
	s0 =	simm.s32 @!p0 $0x0  }
0x12: {  	s1 =	sld [smem:$0x3F9B];
	s0 =	simm.s32 @p0 $0x1  }
0x13: {  	[smem:$0x3FB6] =	sst s0;
	s0 =	simm.s32 @!p1 $0x0  }
0x14: {  	s2 =	sld [smem:$0x3F9A];
	s0 =	simm.s32 @p1 $0x1  }
0x15: {  	[smem:$0x3FB7] =	sst s0;
	s0 =	simm.s32 @!p2 $0x0  }
0x16: {  	s3 =	sld [smem:$0x3FDB];
	s0 =	simm.s32 @p2 $0x1  }
0x17: {  	s4 =	simm.s32 $0x1BF5;
	[smem:$0x3FB9] =	sst s0  }
0x18: {  	s0 =	sld [smem:$0x3F9C];
	_ =	swait.ge [sflag:s4], $0x0  }
0x19: {  	s7 =	sld [smem:$0x3F9D]  }
0x1a: {  	s8 =	sadd.s32 $0xFFFFE003, lr  }
0x1b: {  	s9 =	sadd.s32 $0xFFFFFEF7, lr;
	s5 =	simm.s32 $0xFFFFFFFF;
	p2 =	slt.u32 s8, $0xFFFFF086  }
0x1c: {  	p1 =	slt.u32 s9, $0xF7A;
	s5 =	simm.s32 @!p2 $0x0  }
0x1d: {  	s5 =	simm.s32 @p1 $0x1;
	p0 =	seq.s32 s7, s2  }
0x1e: {  	s7 =	smul.u32 @!p0 $0xF7A, s2;
	p2 =	seq.s32 @!p0 s5, $0x0  }
0x1f: {  	s9 =	smul.u32 $0xF7A, s1;
	s8 =	simm.s32 @!p0 $0x1BF5;
	p2 =	por !p2, p0  }
0x20: {  	[sflag:s8] =	ssyncset.s32 @!p0 $0xFFFFF086;
	s6 =	sadd.s32 @!p0 s3, s7;
	s7 =	simm.s32 @!p0 $0x108  }
0x21: {  	s3 =	sadd.s32 s3, s9;
	s6 =	sadd.s32 @!p0 $0x88, s6;
	s7 =	simm.s32 @p2 $0x1082  }
0x22: {  	[simem:s7], [sflag:s8] =	dma.local @!p0 [hbm:s6], $0xF7A  }
0x23: {  	s9 =	sor.u32 $0xD0000000, s2;
	s6 =	simm.s32 $0x108;
	_ =	swait.ge @!p0 [sflag:s8], $0x0  }
0x24: {  	s3 =	sadd.s32 $0x88, s3;
	s6 =	simm.s32 @!p1 $0x1082;
	[sflag:s4] =	ssyncset.s32 $0xFFFFF086  }
0x25: {  	[simem:s6], [sflag:s4] =	dma.local [hbm:s3], $0xF7A  }
0x26: {  	[smem:$0x3F9D] =	sst s1;
	(tag) =	ssettag s2;
	_ =	strace s9  }
0x27: {  	s1 =	sld [smem:$0x3FAD]  }
0x28: {  	s2 =	sld [smem:$0x3FAE]  }
0x29: {  	s4 =	sld [smem:$0x3FB0]  }
0x2a: {  	p0 =	seq.s32 s5, $0x0;
	s5 =	sld [smem:$0x3FB1]  }
0x2b: {  	s6 =	sld [smem:$0x3FB2]  }
0x2c: {  	s7 =	sld [smem:$0x3FB3]  }
0x2d: {  	s3 =	simm.s32 $0x108;
	s8 =	sld [smem:$0x3FB4]  }
0x2e: {  	s3 =	simm.s32 @!p0 $0x1082;
	s9 =	sld [smem:$0x3FB5]  }
0x2f: {  	lr =	sadd.s32 s0, s3;
	s0 =	sld [smem:$0x3FAC]  }
0x30: {  	s3 =	sld [smem:$0x3FAF]  }
0x31: {  	[smem:$0x3FB8] =	sst s10  }
0x32: {  	s10 =	sld [smem:$0x3FB6];
	_ =	sdelay $0x3  }
0x33: {  	p0 =	seq.s32 s10, $0x1;
	s10 =	sld [smem:$0x3FB8];
	_ =	sdelay $0x3  }
0x34: {  	[smem:$0x3FB8] =	sst s10  }
0x35: {  	s10 =	sld [smem:$0x3FB7];
	_ =	sdelay $0x3  }
0x36: {  	p1 =	seq.s32 s10, $0x1;
	s10 =	sld [smem:$0x3FB8];
	_ =	sdelay $0x3  }
0x37: {  	[smem:$0x3FB8] =	sst s10  }
0x38: {  	s10 =	sld [smem:$0x3FB9]  }
0x39: {  	_ = 	snop;
	(pc) =	sbr.ind lr, $3  }
0x3a: {  	_ = 	snop  }
0x3b: {  	_ = 	snop  }
0x3c: {  	p2 =	seq.s32 s10, $0x1;
	s10 =	sld [smem:$0x3FB8]  }
0x3d: {  	_ =	shalt  }
0x3e: {  	_ =	shalt  }
0x3f: {  	_ =	shalt  }
0x40: {  	_ =	shalt  }
0x41: {  	_ =	shalt  }
0x42: {  	_ =	shalt  }
0x43: {  	_ =	shalt  }
0x44: {  	_ =	shalt  }
0x45: {  	_ =	shalt  }
0x46: {  	_ =	shalt  }
0x47: {  	_ =	shalt  }
0x48: {  	_ =	shalt  }
0x49: {  	_ =	shalt  }
0x4a: {  	_ =	shalt  }
0x4b: {  	_ =	shalt  }
0x4c: {  	_ =	shalt  }
0x4d: {  	_ =	shalt  }
0x4e: {  	_ =	shalt  }
0x4f: {  	_ =	shalt  }
0x50: {  	_ =	shalt  }
0x51: {  	_ =	shalt  }
0x52: {  	_ =	shalt  }
0x53: {  	_ =	shalt  }
0x54: {  	_ =	shalt  }
0x55: {  	_ =	shalt  }
0x56: {  	_ =	shalt  }
0x57: {  	_ =	shalt  }
0x58: {  	_ =	shalt  }
0x59: {  	_ =	shalt  }
0x5a: {  	_ =	shalt  }
0x5b: {  	_ =	shalt  }
0x5c: {  	_ =	shalt  }
0x5d: {  	_ =	shalt  }
0x5e: {  	_ =	shalt  }
0x5f: {  	_ =	shalt  }
0x60: {  	_ =	shalt  }
0x61: {  	_ =	shalt  }
0x62: {  	_ =	shalt  }
0x63: {  	_ =	shalt  }
0x64: {  	_ =	shalt  }
0x65: {  	_ =	shalt  }
0x66: {  	_ =	shalt  }
0x67: {  	_ =	shalt  }
0x68: {  	_ =	shalt  }
0x69: {  	_ =	shalt  }
0x6a: {  	_ =	shalt  }
0x6b: {  	_ =	shalt  }
0x6c: {  	_ =	shalt  }
0x6d: {  	_ =	shalt  }
0x6e: {  	_ =	shalt  }
0x6f: {  	_ =	shalt  }
0x70: {  	_ =	shalt  }
0x71: {  	_ =	shalt  }
0x72: {  	_ =	shalt  }
0x73: {  	_ =	shalt  }
0x74: {  	_ =	shalt  }
0x75: {  	_ =	shalt  }
0x76: {  	_ =	shalt  }
0x77: {  	_ =	shalt  }
0x78: {  	_ =	shalt  }
0x79: {  	_ =	shalt  }
0x7a: {  	_ =	shalt  }
0x7b: {  	_ =	shalt  }
0x7c: {  	_ =	shalt  }
0x7d: {  	_ =	shalt  }
0x7e: {  	_ =	shalt  }
0x7f: {  	_ =	shalt  }
0x80: {  	_ =	shalt  }
0x81: {  	_ =	shalt  }
0x82: {  	_ =	shalt  }
0x83: {  	_ =	shalt  }
0x84: {  	_ =	shalt  }
0x85: {  	_ =	shalt  }
0x86: {  	_ =	shalt  }
0x87: {  	_ =	shalt  }
.Lfunc_end0:
.L_simem_size_0:
called_computation.1_lowered:
.L_overlay_start_0:
0x88: {  	s2 =	sld [smem:$0x3FD9]  }
0x89: {  	s3 =	sld [smem:$0x3FFE];
	_ =	sdelay $0x1  }
0x8a: {  	s1 =	srdreg.scid  }
0x8b: {  	s0 =	sand.u32 $0x1, s1  }
0x8c: {  	s17 =	sshll.u32 s0, $0xA;
	s2 =	sadd.s32 s3, s2  }
0x8d: {  	s2 =	sadd.s32 s2, s17  }
0x8e: {  	[smem:$0x3FC4] =	sst s2  }
0x8f: {  	_ = 	snop  }
0x90: {  	s2 =	sld [smem:$0x3FD0];
	(tm) =	ssettm $0x1  }
0x91: {  	s18 =	sld [smem:$0x3FFB];
	_ =	sdelay $0x3  }
0x92: {  	_ =	strace s18  }
0x93: {  	s3 =	sld [smem:$0x3FFC];
	_ =	sdelay $0x3  }
0x94: {  	_ =	strace s3  }
0x95: {  	s3 =	sld [smem:$0x3FFD];
	_ =	sdelay $0x3  }
0x96: {  	_ =	strace s3  }
0x97: {  	_ =	strace $0x8FFFFFFF  }
0x98: {  	s19 =	sld [smem:$0x3FDB];
	_ =	sdelay $0x1  }
0x99: {  	s4 =	simm.s32 $_scs_section_size  }
0x9a: {  	s5 =	simm.s32 $_size__tile_overlayer_lowered;
	s6 =	simm.s32 $_tile_overlayer_lowered  }
0x9b: {  	s22 =	simm.s32 $0x1BFF;
	s21 =	sshll.u32 s6, $0x1;
	s3 =	sadd.s32 s4, s19  }
0x9c: {  	s7 =	simm.s32 $0x0;
	s20 =	sshll.u32 s5, $0x1;
	s5 =	sadd.s32 s21, s3  }
0x9d: {  	[timem:s7], [sflag:s22] =	dma.local [hbm:s5], s20  }
0x9e: {  	_ =	swait.ge [sflag:s22], s20  }
0x9f: {  	s4 =	ssub.s32 $0x0, s20;
	[sflag:s22] =	ssyncset.done $0x0  }
0xa0: {  	[sflag:s22] =	ssyncadd.s32 s4;
	_ =	sdelay $0x1  }
0xa1: {  	s23 =	simm.s32 $0x1B8B  }
0xa2: {  	_ =	swait.ge [sflag:s23], $0x1  }
0xa3: {  	[sflag:s23] =	ssyncset.done $0x0  }
0xa4: {  	s25 =	simm.s32 $0x1B8E;
	s24 =	sld [smem:$0x3FFE];
	[sflag:s23] =	ssyncadd.s32 $0xFFFFFFFF  }
0xa5: {  	s26 =	simm.s32 $execute0_lowered;
	[smem:$0x3FD2] =	sst s25  }
0xa6: {  	s5 =	sshll.u32 s26, $0x1;
	_ =	strace $0x80000046;
	[dreg:$0x1] =	wrdreg $0xFFFFFFFF  }
0xa7: {  	s28 =	simm.s32 $_size_execute0_lowered;
	s3 =	sadd.s32 s3, s5;
	[dreg:$0x0] =	wrdreg $0x0  }
0xa8: {  	s5 =	sshll.u32 s28, $0x1;
	[dreg:$0x2] =	wrdreg s3  }
0xa9: {  	[dreg:$0x3] =	wrdreg s5  }
0xaa: {  	[dreg:$0x4] =	wrdreg $0xC0  }
0xab: {  	_ =	task [dreg:s7], $0x5FFFF  }
0xac: {  	[dreg:$0x1] =	wrdreg $0xFFFFFFFF  }
0xad: {  	[dreg:$0x0] =	wrdreg $0x60  }
0xae: {  	[dreg:$0x2] =	wrdreg s2  }
0xaf: {  	[dreg:$0x3] =	wrdreg s24  }
0xb0: {  	[dreg:$0x4] =	wrdreg $0x7D000  }
0xb1: {  	[dreg:$0x5] =	wrdreg $0x9  }
0xb2: {  	_ =	task.clear_ibuf [dreg:s7], $0x6FFFF;
	_ =	strace $0x90000046  }
0xb3: {  	s29 =	simm.s32 $0x9;
	_ =	strace $0x80000048  }
0xb4: {  	_ =	swait.ge [sflag:s29], $0x1  }
0xb5: {  	[sflag:s29] =	ssyncadd.s32 $0xFFFFFFFF  }
0xb6: {  	_ =	strace $0x90000048  }
0xb7: {  	_ =	sfence  }
0xb8: {  	s30 =	sld [smem:$0x0];
	_ =	sdelay $0x2  }
0xb9: {  	s31 =	sshll.u32 s1, $0xD;
	s1 =	sshrl.u32 s1, $0x2  }
0xba: {  	s3 =	sand.u32 $0x4000, s31;
	s1 =	sadd.s32 s1, s30  }
0xbb: {  	s0 =	sor.u32 s3, s0;
	s1 =	sshll.u32 s1, $0x11  }
0xbc: {  	s0 =	sor.u32 s1, s0  }
0xbd: {  	s0 =	sadd.s32 $0x8F2B, s0  }
0xbe: {  	[sflag:s0] =	ssyncadd.remote.s32 $0x1  }
0xbf: {  	_ =	sfence.sel $0xFFFF  }
0xc0: {  	[dreg:$0x0] =	wrdreg $0xFFFFFFFF;
	(pc) =	sbr.abs _section_cstart, $3  }
0xc1: {  	[dreg:$0x1] =	wrdreg $0xFFFFFFFF  }
0xc2: {  	_ =	task.clear_ibuf [dreg:s7], $0x2FFFF;
	_ =	strace $0x9FFFFFFF  }
0xc3: {  	(tm) =	ssettm $0x7FFFFFFF  }
tec
execute0_lowered:
.L_overlay_start_1:
0x0: {  	(tag) =	ssettag $0x1  }
0x1: {  	s5 =	rddreg [dreg:$0x0]  }
0x2: {  	s1 =	srdreg.scid;
	s4 =	rddreg [dreg:$0x1]  }
0x3: {  	s0 =	stileid.u32;
	s2 =	rddreg [dreg:$0x2]  }
0x4: {  	s3 =	simm.s32 $0x0;
	s11 =	simm.s32 $0x6400;
	s6 =	sand.u32 $0x1, s1  }
0x5: {  	s7 =	smul.u32 $0x1880, s0;
	s1 =	rddreg [dreg:$0x3];
	s9 =	sshll.u32 s0, $0x1  }
0x6: {  	[smem:$0x7FF] =	sst s3;
	s12 =	sshll.u32 s0, $0x6;
	s8 =	smul.u32 $0x18800, s6  }
0x7: {  	s9 =	sor.u32 s6, s9;
	s6 =	ssub.s32 $0x2, s6;
	_ =	strace $0x80000047  }
0x8: {  	s9 =	smul.u32 $0xC80, s9;
	s31 =	sshrl.u32 s6, $0x1;
	s8 =	sadd.s32 s7, s8  }
0x9: {  	s12 =	sor.u32 $0x1C01, s12;
	s10 =	ssub.s32 s6, s31;
	s8 =	sshrl.u32 s8, $0x3  }
0xa: {  	s5 =	sadd.s32 s5, s9;
	s9 =	simm.s32 $0x1;
	s8 =	sadd.s32 s8, s4  }
0xb: {  	s4 =	sadd.s32 s7, s2;
	s7 =	smax.u32 s10, $0x1;
	s10 =	simm.s32 $0x80  }
0xc: {  	v0 =	vimm.f32 $0.0e+00;
	v1 =	vimm.f32 $1.000000000e+00;
	s6 =	sadd.s32 $0x1200, s8;
	s8 =	simm.s32 $0x6480;
	s13 =	sshrl.u32 s4, $0x3  }
.LBB2_1:
0xd: {  	s14 =	simm.s32 $0x40;
	s15 =	simm.s32 $0x0  }
.LBB2_2:
0xe: {  	p0 =	sne.s32 s14, $0x61C0;
	[tilespmem:s15+$0x6480] =	vst v0;
	s15 =	smov.u32 s14;
	s14 =	sadd.s32 $0x40, s14  }
.Ltmp0:
0xf: {  	(pc) =	sbr.rel @p0 .LBB2_2-.Ltmp0, $2  }
0x10: {  	_ =	sdelay $0x2  }
0x11: {  	s15 =	sshra.s32 s15, $0x2  }
0x12: {  	[tilespmem:s15+$0x6480] =	vst v0  }
0x13: {  	[tilespmem:$0x6400] =	vst v1  }
0x14: {  	[tilespmem:$0x6410] =	vst v1  }
0x15: {  	[tilespmem:$0x6420] =	vst v1  }
0x16: {  	[tilespmem:$0x6430] =	vst v1  }
0x17: {  	[tilespmem:$0x6440] =	vst v1  }
0x18: {  	[tilespmem:$0x6450] =	vst v1  }
0x19: {  	[tilespmem:$0x6460] =	vst v1  }
0x1a: {  	[tilespmem:$0x6470] =	vst v1  }
0x1b: {  	[spmem:s4] =	stream.linear.scatter [tilespmem:s8], [sflag:$0x1], $0x1880, $0x38;
	[tilespmem:$0x9580] =	vst v63  }
0x1c: {  	_ =	swait.ge [sflag:s9], $0x1880  }
0x1d: {  	[sflag:s9] =	ssyncset.done $0x0  }
0x1e: {  	[sflag:s9] =	ssyncadd.s32 $0xFFFFE780  }
0x1f: {  	s14 =	simm.s32 $0x0;
	[bflag:$0x0] =	sbarrier.arrive $0xFFFF  }
0x20: {  	[tilespmem:s14], [sflag:$0x1] =	stream.linear.gather [hbm4b:s5+s14], $0x6400, $0x38;
	[tilespmem:$0x9580] =	vst v63  }
0x21: {  	_ =	swait.ge [sflag:s9], $0x6400  }
0x22: {  	[sflag:s9] =	ssyncset.done $0x0  }
0x23: {  	s31 =	simm.s32 $0x0;
	[sflag:s9] =	ssyncadd.s32 $0xFFFF9C00  }
0x24: {  	[spmem:s2] =	stream.indirect.scatter.add.f32 [tilespmem:s11], [sflag:$0x1], $0x1, s31, s10, $0xb8;
	[tilespmem:$0x9580] =	vst v63  }
0x25: {  	_ =	swait.ge [sflag:s9], $0x80  }
0x26: {  	s14 =	simm.s32 $0x200;
	[sflag:s9] =	ssyncset.done $0x0  }
.LBB2_4:
0x27: {  	s15 =	sshra.s32 s14, $0x2;
	[sflag:s9] =	ssyncadd.s32 $0xFFFFFF80;
	p0 =	sne.s32 s14, $0x18E00  }
0x28: {  	[spmem:s2] =	stream.indirect.scatter.add.f32 [tilespmem:s11], [sflag:$0x1], $0x1, s15, s10, $0xb8;
	[tilespmem:$0x9580] =	vst v63  }
.Ltmp1:
0x29: {  	_ = 	snop;
	(pc) =	sbr.rel @p0 .LBB2_4-.Ltmp1, $4  }
0x2a: {  	_ = 	snop  }
0x2b: {  	s14 =	sadd.s32 $0x200, s14  }
0x2c: {  	_ =	swait.ge [sflag:s9], $0x80  }
0x2d: {  	[sflag:s9] =	ssyncset.done $0x0  }
0x2e: {  	s3 =	sadd.s32 $0x1, s3  }
0x2f: {  	[sflag:s9] =	ssyncadd.s32 $0xFFFFFF80;
	p0 =	sne.s32 s3, s7  }
.Ltmp2:
0x30: {  	[bflag:$0x0] =	sbarrier.arrive $0xFFFF;
	(pc) =	sbr.rel @p0 .LBB2_1-.Ltmp2, $4  }
0x31: {  	[hbm:s6], [sflag:s12] =	dma.local [spmem:s13], $0x310  }
0x32: {  	_ =	swait.ge [sflag:s9], $0x310  }
0x33: {  	[sflag:s9] =	ssyncset.done $0x0  }
0x34: {  	[sflag:s9] =	ssyncadd.s32 $0xFFFFFCF0  }
0x35: {  	_ =	sfence.sel $0x180000  }
0x36: {  	[bflag:$0x0] =	sbarrier.arrive $0xFFFF  }
0x37: {  	p0 =	sne.s32 s0, $0x0;
	_ =	strace $0x90000047  }
0x38: {  	s0 =	sadd.s32 @!p0 $0x100000, s1;
	[bflag:$0x2] =	sbarrier.arrive $0xFFFF  }
0x39: {  	[sflag:s0] =	ssyncadd.tile.s32 @!p0 $0x1;
	_ =	shalt  }
.Lfunc_end2:
_tile_overlayer_lowered:
.L_overlay_start_2:
0x3a: {  	(tag) =	ssettag $0x2  }
0x3b: {  	s0 =	rddreg [dreg:$0x0];
	s2 =	stileid.u32  }
0x3c: {  	s1 =	rddreg [dreg:$0x1];
	p0 =	sne.s32 s2, $0x0  }
0x3d: {  	s3 =	rddreg [dreg:$0x2];
	[bflag:$0x3] =	sbarrier.arrive $0xFFFF;
	s2 =	simm.s32 @!p0 $0x1C01  }
0x3e: {  	[timem:s3], [sflag:s2] =	dma.local @!p0 [hbm:s0], s1  }
0x3f: {  	s0 =	simm.s32 @!p0 $0x1  }
0x40: {  	_ =	swait.ge @!p0 [sflag:s0], s1  }
0x41: {  	s1 =	ssub.s32 @!p0 $0x0, s1;
	[sflag:s0] =	ssyncset.done @!p0 $0x0  }
0x42: {  	[sflag:s0] =	ssyncadd.s32 @!p0 s1  }
0x43: {  	[bflag:$0x3] =	sbarrier.arrive $0xFFFF  }
0x44: {  	_ =	shalt  }

// kernel: kernel.8.cloned.1.call-start
scs
__scs_entry_jumppad:
0x0: {  	(pc) =	sbr.rel $0x88, $3  }
0x1: {  	(tag) =	ssettag $0x0;
	lr =	simm.s32 $0x1  }
0x2: {  	[smem:$0x3F9D] =	sst lr;
	_ =	strace $0xD0000000  }
0x3: {  	_ = 	snop  }
0x4: {  	_ = 	snop  }
0x5: {  	_ = 	snop  }
0x6: {  	_ = 	snop  }
0x7: {  	_ = 	snop  }
__scs_overlays_trampoline_lowered:
0x8: {  	[smem:$0x3FAC] =	sst s0  }
0x9: {  	[smem:$0x3FAD] =	sst s1  }
0xa: {  	[smem:$0x3FAE] =	sst s2  }
0xb: {  	[smem:$0x3FAF] =	sst s3  }
0xc: {  	[smem:$0x3FB0] =	sst s4  }
0xd: {  	[smem:$0x3FB1] =	sst s5  }
0xe: {  	[smem:$0x3FB2] =	sst s6  }
0xf: {  	[smem:$0x3FB3] =	sst s7  }
0x10: {  	[smem:$0x3FB4] =	sst s8  }
0x11: {  	[smem:$0x3FB5] =	sst s9;
	s0 =	simm.s32 @!p0 $0x0  }
0x12: {  	s1 =	sld [smem:$0x3F9B];
	s0 =	simm.s32 @p0 $0x1  }
0x13: {  	[smem:$0x3FB6] =	sst s0;
	s0 =	simm.s32 @!p1 $0x0  }
0x14: {  	s2 =	sld [smem:$0x3F9A];
	s0 =	simm.s32 @p1 $0x1  }
0x15: {  	[smem:$0x3FB7] =	sst s0;
	s0 =	simm.s32 @!p2 $0x0  }
0x16: {  	s3 =	sld [smem:$0x3FDB];
	s0 =	simm.s32 @p2 $0x1  }
0x17: {  	s4 =	simm.s32 $0x1BF5;
	[smem:$0x3FB9] =	sst s0  }
0x18: {  	s0 =	sld [smem:$0x3F9C];
	_ =	swait.ge [sflag:s4], $0x0  }
0x19: {  	s7 =	sld [smem:$0x3F9D]  }
0x1a: {  	s8 =	sadd.s32 $0xFFFFE003, lr  }
0x1b: {  	s9 =	sadd.s32 $0xFFFFFEF7, lr;
	s5 =	simm.s32 $0xFFFFFFFF;
	p2 =	slt.u32 s8, $0xFFFFF086  }
0x1c: {  	p1 =	slt.u32 s9, $0xF7A;
	s5 =	simm.s32 @!p2 $0x0  }
0x1d: {  	s5 =	simm.s32 @p1 $0x1;
	p0 =	seq.s32 s7, s2  }
0x1e: {  	s7 =	smul.u32 @!p0 $0xF7A, s2;
	p2 =	seq.s32 @!p0 s5, $0x0  }
0x1f: {  	s9 =	smul.u32 $0xF7A, s1;
	s8 =	simm.s32 @!p0 $0x1BF5;
	p2 =	por !p2, p0  }
0x20: {  	[sflag:s8] =	ssyncset.s32 @!p0 $0xFFFFF086;
	s6 =	sadd.s32 @!p0 s3, s7;
	s7 =	simm.s32 @!p0 $0x108  }
0x21: {  	s3 =	sadd.s32 s3, s9;
	s6 =	sadd.s32 @!p0 $0x88, s6;
	s7 =	simm.s32 @p2 $0x1082  }
0x22: {  	[simem:s7], [sflag:s8] =	dma.local @!p0 [hbm:s6], $0xF7A  }
0x23: {  	s9 =	sor.u32 $0xD0000000, s2;
	s6 =	simm.s32 $0x108;
	_ =	swait.ge @!p0 [sflag:s8], $0x0  }
0x24: {  	s3 =	sadd.s32 $0x88, s3;
	s6 =	simm.s32 @!p1 $0x1082;
	[sflag:s4] =	ssyncset.s32 $0xFFFFF086  }
0x25: {  	[simem:s6], [sflag:s4] =	dma.local [hbm:s3], $0xF7A  }
0x26: {  	[smem:$0x3F9D] =	sst s1;
	(tag) =	ssettag s2;
	_ =	strace s9  }
0x27: {  	s1 =	sld [smem:$0x3FAD]  }
0x28: {  	s2 =	sld [smem:$0x3FAE]  }
0x29: {  	s4 =	sld [smem:$0x3FB0]  }
0x2a: {  	p0 =	seq.s32 s5, $0x0;
	s5 =	sld [smem:$0x3FB1]  }
0x2b: {  	s6 =	sld [smem:$0x3FB2]  }
0x2c: {  	s7 =	sld [smem:$0x3FB3]  }
0x2d: {  	s3 =	simm.s32 $0x108;
	s8 =	sld [smem:$0x3FB4]  }
0x2e: {  	s3 =	simm.s32 @!p0 $0x1082;
	s9 =	sld [smem:$0x3FB5]  }
0x2f: {  	lr =	sadd.s32 s0, s3;
	s0 =	sld [smem:$0x3FAC]  }
0x30: {  	s3 =	sld [smem:$0x3FAF]  }
0x31: {  	[smem:$0x3FB8] =	sst s10  }
0x32: {  	s10 =	sld [smem:$0x3FB6];
	_ =	sdelay $0x3  }
0x33: {  	p0 =	seq.s32 s10, $0x1;
	s10 =	sld [smem:$0x3FB8];
	_ =	sdelay $0x3  }
0x34: {  	[smem:$0x3FB8] =	sst s10  }
0x35: {  	s10 =	sld [smem:$0x3FB7];
	_ =	sdelay $0x3  }
0x36: {  	p1 =	seq.s32 s10, $0x1;
	s10 =	sld [smem:$0x3FB8];
	_ =	sdelay $0x3  }
0x37: {  	[smem:$0x3FB8] =	sst s10  }
0x38: {  	s10 =	sld [smem:$0x3FB9]  }
0x39: {  	_ = 	snop;
	(pc) =	sbr.ind lr, $3  }
0x3a: {  	_ = 	snop  }
0x3b: {  	_ = 	snop  }
0x3c: {  	p2 =	seq.s32 s10, $0x1;
	s10 =	sld [smem:$0x3FB8]  }
0x3d: {  	_ =	shalt  }
0x3e: {  	_ =	shalt  }
0x3f: {  	_ =	shalt  }
0x40: {  	_ =	shalt  }
0x41: {  	_ =	shalt  }
0x42: {  	_ =	shalt  }
0x43: {  	_ =	shalt  }
0x44: {  	_ =	shalt  }
0x45: {  	_ =	shalt  }
0x46: {  	_ =	shalt  }
0x47: {  	_ =	shalt  }
0x48: {  	_ =	shalt  }
0x49: {  	_ =	shalt  }
0x4a: {  	_ =	shalt  }
0x4b: {  	_ =	shalt  }
0x4c: {  	_ =	shalt  }
0x4d: {  	_ =	shalt  }
0x4e: {  	_ =	shalt  }
0x4f: {  	_ =	shalt  }
0x50: {  	_ =	shalt  }
0x51: {  	_ =	shalt  }
0x52: {  	_ =	shalt  }
0x53: {  	_ =	shalt  }
0x54: {  	_ =	shalt  }
0x55: {  	_ =	shalt  }
0x56: {  	_ =	shalt  }
0x57: {  	_ =	shalt  }
0x58: {  	_ =	shalt  }
0x59: {  	_ =	shalt  }
0x5a: {  	_ =	shalt  }
0x5b: {  	_ =	shalt  }
0x5c: {  	_ =	shalt  }
0x5d: {  	_ =	shalt  }
0x5e: {  	_ =	shalt  }
0x5f: {  	_ =	shalt  }
0x60: {  	_ =	shalt  }
0x61: {  	_ =	shalt  }
0x62: {  	_ =	shalt  }
0x63: {  	_ =	shalt  }
0x64: {  	_ =	shalt  }
0x65: {  	_ =	shalt  }
0x66: {  	_ =	shalt  }
0x67: {  	_ =	shalt  }
0x68: {  	_ =	shalt  }
0x69: {  	_ =	shalt  }
0x6a: {  	_ =	shalt  }
0x6b: {  	_ =	shalt  }
0x6c: {  	_ =	shalt  }
0x6d: {  	_ =	shalt  }
0x6e: {  	_ =	shalt  }
0x6f: {  	_ =	shalt  }
0x70: {  	_ =	shalt  }
0x71: {  	_ =	shalt  }
0x72: {  	_ =	shalt  }
0x73: {  	_ =	shalt  }
0x74: {  	_ =	shalt  }
0x75: {  	_ =	shalt  }
0x76: {  	_ =	shalt  }
0x77: {  	_ =	shalt  }
0x78: {  	_ =	shalt  }
0x79: {  	_ =	shalt  }
0x7a: {  	_ =	shalt  }
0x7b: {  	_ =	shalt  }
0x7c: {  	_ =	shalt  }
0x7d: {  	_ =	shalt  }
0x7e: {  	_ =	shalt  }
0x7f: {  	_ =	shalt  }
0x80: {  	_ =	shalt  }
0x81: {  	_ =	shalt  }
0x82: {  	_ =	shalt  }
0x83: {  	_ =	shalt  }
0x84: {  	_ =	shalt  }
0x85: {  	_ =	shalt  }
0x86: {  	_ =	shalt  }
0x87: {  	_ =	shalt  }
.Lfunc_end0:
.L_simem_size_0:
called_computation.2_lowered:
.L_overlay_start_0:
0x88: {  	s2 =	sld [smem:$0x3FD9]  }
0x89: {  	s3 =	sld [smem:$0x3FFE];
	_ =	sdelay $0x1  }
0x8a: {  	s1 =	srdreg.scid  }
0x8b: {  	s0 =	sand.u32 $0x1, s1  }
0x8c: {  	s17 =	sshll.u32 s0, $0xA;
	s2 =	sadd.s32 s3, s2  }
0x8d: {  	s2 =	sadd.s32 s2, s17  }
0x8e: {  	[smem:$0x3FC4] =	sst s2  }
0x8f: {  	_ = 	snop  }
0x90: {  	s2 =	sld [smem:$0x3FD0];
	(tm) =	ssettm $0x1  }
0x91: {  	s18 =	sld [smem:$0x3FFB];
	_ =	sdelay $0x3  }
0x92: {  	_ =	strace s18  }
0x93: {  	s3 =	sld [smem:$0x3FFC];
	_ =	sdelay $0x3  }
0x94: {  	_ =	strace s3  }
0x95: {  	s3 =	sld [smem:$0x3FFD];
	_ =	sdelay $0x3  }
0x96: {  	_ =	strace s3  }
0x97: {  	_ =	strace $0x8FFFFFFF  }
0x98: {  	s19 =	sld [smem:$0x3FDB];
	_ =	sdelay $0x1  }
0x99: {  	s4 =	simm.s32 $_scs_section_size  }
0x9a: {  	s5 =	simm.s32 $_size__tile_overlayer_lowered;
	s6 =	simm.s32 $_tile_overlayer_lowered  }
0x9b: {  	s22 =	simm.s32 $0x1BFF;
	s21 =	sshll.u32 s6, $0x1;
	s3 =	sadd.s32 s4, s19  }
0x9c: {  	s7 =	simm.s32 $0x0;
	s20 =	sshll.u32 s5, $0x1;
	s5 =	sadd.s32 s21, s3  }
0x9d: {  	[timem:s7], [sflag:s22] =	dma.local [hbm:s5], s20  }
0x9e: {  	_ =	swait.ge [sflag:s22], s20  }
0x9f: {  	s4 =	ssub.s32 $0x0, s20;
	[sflag:s22] =	ssyncset.done $0x0  }
0xa0: {  	[sflag:s22] =	ssyncadd.s32 s4;
	_ =	sdelay $0x1  }
0xa1: {  	s23 =	simm.s32 $0x1B8B  }
0xa2: {  	_ =	swait.ge [sflag:s23], $0x1  }
0xa3: {  	[sflag:s23] =	ssyncset.done $0x0  }
0xa4: {  	s25 =	simm.s32 $0x1B8E;
	s24 =	sld [smem:$0x3FFE];
	[sflag:s23] =	ssyncadd.s32 $0xFFFFFFFF  }
0xa5: {  	s26 =	simm.s32 $execute0_lowered;
	[smem:$0x3FD2] =	sst s25  }
0xa6: {  	s5 =	sshll.u32 s26, $0x1;
	_ =	strace $0x80000049;
	[dreg:$0x1] =	wrdreg $0xFFFFFFFF  }
0xa7: {  	s28 =	simm.s32 $_size_execute0_lowered;
	s3 =	sadd.s32 s3, s5;
	[dreg:$0x0] =	wrdreg $0x0  }
0xa8: {  	s5 =	sshll.u32 s28, $0x1;
	[dreg:$0x2] =	wrdreg s3  }
0xa9: {  	[dreg:$0x3] =	wrdreg s5  }
0xaa: {  	[dreg:$0x4] =	wrdreg $0xC0  }
0xab: {  	_ =	task [dreg:s7], $0x5FFFF  }
0xac: {  	[dreg:$0x1] =	wrdreg $0xFFFFFFFF  }
0xad: {  	[dreg:$0x0] =	wrdreg $0x60  }
0xae: {  	[dreg:$0x2] =	wrdreg s24  }
0xaf: {  	[dreg:$0x3] =	wrdreg s2  }
0xb0: {  	[dreg:$0x4] =	wrdreg $0x9  }
0xb1: {  	_ =	task.clear_ibuf [dreg:s7], $0x5FFFF;
	_ =	strace $0x90000049  }
0xb2: {  	s29 =	simm.s32 $0x9;
	_ =	strace $0x8000004B  }
0xb3: {  	_ =	swait.ge [sflag:s29], $0x1  }
0xb4: {  	[sflag:s29] =	ssyncadd.s32 $0xFFFFFFFF  }
0xb5: {  	_ =	strace $0x9000004B  }
0xb6: {  	_ =	sfence  }
0xb7: {  	s30 =	sld [smem:$0x0];
	_ =	sdelay $0x2  }
0xb8: {  	s31 =	sshll.u32 s1, $0xD;
	s1 =	sshrl.u32 s1, $0x2  }
0xb9: {  	s3 =	sand.u32 $0x4000, s31;
	s1 =	sadd.s32 s1, s30  }
0xba: {  	s0 =	sor.u32 s3, s0;
	s1 =	sshll.u32 s1, $0x11  }
0xbb: {  	s0 =	sor.u32 s1, s0  }
0xbc: {  	s0 =	sadd.s32 $0x8F2B, s0  }
0xbd: {  	[sflag:s0] =	ssyncadd.remote.s32 $0x1  }
0xbe: {  	_ =	sfence.sel $0xFFFF  }
0xbf: {  	[dreg:$0x0] =	wrdreg $0xFFFFFFFF;
	(pc) =	sbr.abs _section_cstart, $3  }
0xc0: {  	[dreg:$0x1] =	wrdreg $0xFFFFFFFF  }
0xc1: {  	_ =	task.clear_ibuf [dreg:s7], $0x2FFFF;
	_ =	strace $0x9FFFFFFF  }
0xc2: {  	(tm) =	ssettm $0x7FFFFFFF  }
0xc3: {  	_ =	shalt  }
tec
execute0_lowered:
.L_overlay_start_1:
0x0: {  	(tag) =	ssettag $0x1  }
0x1: {  	s0 =	srdreg.scid;
	s1 =	rddreg [dreg:$0x0]  }
0x2: {  	s3 =	stileid.u32;
	s2 =	rddreg [dreg:$0x1];
	s14 =	simm.s32 $0x68  }
0x3: {  	s15 =	simm.s32 $0x9400;
	s16 =	simm.s32 $0x60;
	s17 =	simm.s32 $0xC800  }
0x4: {  	s18 =	simm.s32 $0xF800;
	s19 =	simm.s32 $0xAE00;
	s21 =	simm.s32 $0xE000  }
0x5: {  	s23 =	simm.s32 $0x11000;
	s24 =	simm.s32 $0x1;
	s25 =	simm.s32 $0x3  }
0x6: {  	s28 =	simm.s32 $0x12800;
	s29 =	simm.s32 $0x2;
	s0 =	sand.u32 $0x1, s0  }
0x7: {  	s30 =	simm.s32 $0x4;
	s4 =	sshll.u32 s3, $0x8;
	s5 =	sshll.u32 s0, $0x7  }
0x8: {  	s31 =	simm.s32 $0x6;
	s3 =	simm.s32 $0x0;
	s4 =	sor.u32 s5, s4  }
0x9: {  	s6 =	sadd.s32 $0x276400, s1;
	s0 =	ssub.s32 $0x2, s0;
	s7 =	smul.u32 $0xD, s4  }
0xa: {  	[smem:$0x7FF] =	sst s3;
	s9 =	sshrl.u32 s0, $0x1;
	s8 =	smul.u32 $0xC, s4  }
0xb: {  	_ =	strace $0x8000004A;
	s5 =	sadd.s32 $0x1B2E00, s1;
	s0 =	ssub.s32 s0, s9  }
0xc: {  	s0 =	smax.u32 s0, $0x1;
	s7 =	sadd.s32 s7, s1;
	s1 =	sadd.s32 s8, s1  }
.Ltmp0:
0xd: {  	[dreg:$0x6] =	wrdreg s0;
	s7 =	sadd.s32 $0x7400, s7;
	(pc) =	sbr.rel .LBB2_1-.Ltmp0, $4  }
0xe: {  	s20 =	simm.s32 $0x9;
	s26 =	sadd.s32 $0x20400, s1;
	[dreg:$0x3] =	wrdreg s7  }
0xf: {  	s22 =	simm.s32 $0x8;
	s1 =	sadd.s32 $0x14400, s1;
	[dreg:$0x4] =	wrdreg s26  }
0x10: {  	s9 =	simm.s32 $0x0;
	s0 =	simm.s32 $0x7;
	[dreg:$0x5] =	wrdreg s1  }
0x11: {  	s26 =	simm.s32 $0x5;
	s1 =	simm.s32 $0x14000;
	s7 =	simm.s32 $0xA  }
.LBB2_8:
0x12: {  	_ =	swait.ge [sflag:s22], $0x1A00  }
0x13: {  	[sflag:s22] =	ssyncset.done $0x0  }
0x14: {  	[sflag:s22] =	ssyncadd.s32 $0xFFFFE600  }
0x15: {  	_ =	swait.ge [sflag:s7], $0x1800  }
0x16: {  	s9 =	rddreg [dreg:$0x7]  }
0x17: {  	s8 =	rddreg [dreg:$0x6];
	s9 =	sadd.s32 $0x1, s9  }
0x18: {  	p0 =	sne.s32 s9, s8  }
.Ltmp1:
0x19: {  	_ = 	snop;
	(pc) =	sbr.rel @!p0 .LBB2_9-.Ltmp1, $3  }
0x1a: {  	_ =	sdelay $0x1  }
0x1b: {  	[sflag:s7] =	ssyncset.done $0x0  }
0x1c: {  	[sflag:s7] =	ssyncadd.s32 $0xFFFFE800  }
.LBB2_1:
0x1d: {  	[dreg:$0x7] =	wrdreg s9  }
0x1e: {  	s8 =	rddreg [dreg:$0x3];
	s9 =	simm.s32 $0xB  }
0x1f: {  	[tilespmem:s3], [sflag:$0xB] =	stream.linear.gather [hbm4b:s8+s3], $0x3400, $0x38;
	[tilespmem:$0x15800] =	vst v63  }
0x20: {  	_ =	swait.ge [sflag:s9], $0x3400  }
0x21: {  	[sflag:s9] =	ssyncset.done $0x0  }
0x22: {  	s10 =	simm.s32 $0x3400;
	s12 =	rddreg [dreg:$0x4];
	[sflag:s9] =	ssyncadd.s32 $0xFFFFCC00  }
0x23: {  	[tilespmem:s10], [sflag:$0xB] =	stream.linear.gather [hbm4b:s12+s3], $0x3000, $0x38;
	[tilespmem:$0x15800] =	vst v63  }
0x24: {  	_ =	swait.ge [sflag:s9], $0x3000  }
0x25: {  	[sflag:s9] =	ssyncset.done $0x0  }
0x26: {  	s11 =	simm.s32 $0x6400;
	s13 =	rddreg [dreg:$0x5];
	[sflag:s9] =	ssyncadd.s32 $0xFFFFD000  }
0x27: {  	[tilespmem:s11], [sflag:$0xB] =	stream.linear.gather [hbm4b:s13+s3], $0x3000, $0x38;
	[tilespmem:$0x15800] =	vst v63  }
0x28: {  	_ =	swait.ge [sflag:s9], $0x3000  }
0x29: {  	[sflag:s9] =	ssyncset.done $0x0  }
0x2a: {  	[sflag:s9] =	ssyncadd.s32 $0xFFFFD000  }
0x2b: {  	[tilespmem:s15], [sflag:$0x1] =	stream.indirect.gather [hbm4b:s5+s14], $0x40, s3, s14, $0xb8;
	[tilespmem:$0x15800] =	vst v63  }
0x2c: {  	_ = 	snop  }
0x2d: {  	[tilespmem:s17], [sflag:$0x3] =	stream.indirect.gather [hbm4b:s6+s16], $0x40, s10, s16, $0xb8;
	[tilespmem:$0x15800] =	vst v63  }
0x2e: {  	_ = 	snop  }
0x2f: {  	[tilespmem:s18], [sflag:$0x5] =	stream.indirect.gather [hbm4b:s5+s16], $0x40, s11, s16, $0xb8;
	[tilespmem:$0x15800] =	vst v63  }
0x30: {  	_ = 	snop  }
0x31: {  	[tilespmem:s19], [sflag:$0x2] =	stream.indirect.gather [hbm4b:s5+s14], $0x40, s14, s14, $0xb8;
	[tilespmem:$0x15800] =	vst v63  }
0x32: {  	s12 =	simm.s32 $0x3460  }
0x33: {  	[tilespmem:s21], [sflag:$0x4] =	stream.indirect.gather [hbm4b:s6+s16], $0x40, s12, s16, $0xb8;
	[tilespmem:$0x15800] =	vst v63  }
0x34: {  	s8 =	simm.s32 $0x0;
	s13 =	simm.s32 $0x6460  }
0x35: {  	[tilespmem:s23], [sflag:$0x6] =	stream.indirect.gather [hbm4b:s5+s16], $0x40, s13, s16, $0xb8;
	[tilespmem:$0x15800] =	vst v63  }
.LBB2_2:
0x36: {  	_ =	swait.ge [sflag:s24], $0x1A00  }
0x37: {  	[sflag:s24] =	ssyncset.done $0x0  }
0x38: {  	[sflag:s24] =	ssyncadd.s32 $0xFFFFE600  }
0x39: {  	_ =	swait.ge [sflag:s25], $0x1800  }
0x3a: {  	s13 =	sshll.u32 s8, $0x1;
	[sflag:s25] =	ssyncset.done $0x0  }
0x3b: {  	s9 =	sor.u32 s4, s13;
	[sflag:s25] =	ssyncadd.s32 $0xFFFFE800  }
0x3c: {  	s10 =	smul.u32 $0x640, s9;
	_ =	swait.ge [sflag:s26], $0x1800  }
0x3d: {  	[sflag:s26] =	ssyncset.done $0x0  }
0x3e: {  	s11 =	simm.s32 $0x0;
	s10 =	sadd.s32 s2, s10;
	[sflag:s26] =	ssyncadd.s32 $0xFFFFE800  }
0x3f: {  	[hbm4b:s10+s11] =	stream.linear.scatter [tilespmem:s15], [sflag:$0x7], $0x1A00, $0x38;
	[tilespmem:$0x15800] =	vst v63  }
0x40: {  	s11 =	simm.s32 $0x0  }
0x41: {  	v3 =	vld [tilespmem:s11+$0xF830]  }
0x42: {  	v4 =	vld [tilespmem:s11+$0xF800]  }
0x43: {  	v6 =	vld [tilespmem:s11+$0xC830]  }
0x44: {  	v1 =	vld [tilespmem:s11+$0xF810]  }
0x45: {  	v0 =	vld [tilespmem:s11+$0xF820]  }
0x46: {  	v2 =	vld [tilespmem:s11+$0xC800];
	v7 =	vmul.f32 $1.000000010e-01, v3  }
0x47: {  	v3 =	vld [tilespmem:s11+$0xC810]  }
0x48: {  	s12 =	simm.s32 $0x200;
	s10 =	simm.s32 $0x40;
	v5 =	vmul.f32 $1.000000010e-01, v4;
	v4 =	vld [tilespmem:s11+$0xC820];
	v6 =	vadd.f32 v7, v6  }
.LBB2_3:
0x49: {  	p0 =	sne.s32 s12, $0x5F00;
	v7 =	vld [tilespmem:s10+$0xF830];
	v8 =	vmul.f32 $1.000000010e-01, v1  }
0x4a: {  	v9 =	vld [tilespmem:s10+$0xF800];
	v10 =	vmul.f32 $1.000000010e-01, v0;
	[tilespmem:s11+$0x12830] =	vst v6  }
0x4b: {  	v6 =	vld [tilespmem:s10+$0xC830];
	v2 =	vadd.f32 v5, v2  }
.Ltmp2:
0x4c: {  	v1 =	vld [tilespmem:s10+$0xF810];
	v3 =	vadd.f32 v8, v3;
	(pc) =	sbr.rel @p0 .LBB2_3-.Ltmp2, $4  }
0x4d: {  	v0 =	vld [tilespmem:s10+$0xF820];
	[tilespmem:s11+$0x12800] =	vst v2;
	v4 =	vadd.f32 v10, v4  }
0x4e: {  	v2 =	vld [tilespmem:s10+$0xC800];
	v7 =	vmul.f32 $1.000000010e-01, v7;
	[tilespmem:s11+$0x12810] =	vst v3  }
0x4f: {  	v5 =	vmul.f32 $1.000000010e-01, v9;
	v3 =	vld [tilespmem:s10+$0xC810];
	[tilespmem:s11+$0x12820] =	vst v4;
	s11 =	smov.u32 s10  }
0x50: {  	s10 =	sshra.s32 s12, $0x2;
	s12 =	sadd.s32 $0x100, s12;
	v4 =	vld [tilespmem:s11+$0xC820];
	v6 =	vadd.f32 v7, v6  }
0x51: {  	v7 =	vld [tilespmem:s10+$0xF830]  }
0x52: {  	v8 =	vld [tilespmem:s10+$0xF800];
	v1 =	vmul.f32 $1.000000010e-01, v1;
	[tilespmem:s11+$0x12830] =	vst v6  }
0x53: {  	v0 =	vmul.f32 $1.000000010e-01, v0;
	v6 =	vld [tilespmem:s10+$0xC830];
	v2 =	vadd.f32 v5, v2  }
0x54: {  	v5 =	vld [tilespmem:s10+$0xF810];
	v1 =	vadd.f32 v1, v3  }
0x55: {  	v9 =	vld [tilespmem:s10+$0xF820];
	[tilespmem:s11+$0x12800] =	vst v2;
	v0 =	vadd.f32 v0, v4  }
0x56: {  	v2 =	vld [tilespmem:s10+$0xC800];
	[tilespmem:s11+$0x12810] =	vst v1  }
0x57: {  	v1 =	vld [tilespmem:s10+$0xC810];
	[tilespmem:s11+$0x12820] =	vst v0  }
0x58: {  	v0 =	vmul.f32 $1.000000010e-01, v7;
	v3 =	vld [tilespmem:s10+$0xC820]  }
0x59: {  	v4 =	vmul.f32 $1.000000010e-01, v8  }
0x5a: {  	v5 =	vmul.f32 $1.000000010e-01, v5;
	v0 =	vadd.f32 v0, v6  }
0x5b: {  	s12 =	smul.u32 $0x3200, s9;
	v6 =	vmul.f32 $1.000000010e-01, v9;
	v2 =	vadd.f32 v4, v2  }
0x5c: {  	[tilespmem:s10+$0x12830] =	vst v0;
	v0 =	vadd.f32 v5, v1  }
0x5d: {  	s11 =	sshrl.u32 s12, $0x3;
	[tilespmem:s10+$0x12800] =	vst v2;
	v1 =	vadd.f32 v6, v3  }
0x5e: {  	s11 =	sadd.s32 s2, s11;
	[tilespmem:s10+$0x12810] =	vst v0  }
0x5f: {  	s12 =	sadd.s32 $0x340, s11;
	s11 =	simm.s32 $0x0;
	[tilespmem:s10+$0x12820] =	vst v1  }
0x60: {  	[hbm4b:s12+s11] =	stream.linear.scatter [tilespmem:s28], [sflag:$0x9], $0x1800, $0x38;
	[tilespmem:$0x15800] =	vst v63  }
0x61: {  	_ =	swait.ge [sflag:s29], $0x1A00  }
0x62: {  	[sflag:s29] =	ssyncset.done $0x0  }
0x63: {  	[sflag:s29] =	ssyncadd.s32 $0xFFFFE600  }
0x64: {  	_ =	swait.ge [sflag:s30], $0x1800  }
0x65: {  	[sflag:s30] =	ssyncset.done $0x0  }
0x66: {  	s9 =	sor.u32 $0x1, s9;
	[sflag:s30] =	ssyncadd.s32 $0xFFFFE800  }
0x67: {  	s12 =	smul.u32 $0x640, s9;
	_ =	swait.ge [sflag:s31], $0x1800  }
0x68: {  	[sflag:s31] =	ssyncset.done $0x0  }
0x69: {  	s10 =	sadd.s32 s2, s12;
	[sflag:s31] =	ssyncadd.s32 $0xFFFFE800  }
0x6a: {  	[hbm4b:s10+s11] =	stream.linear.scatter [tilespmem:s19], [sflag:$0x8], $0x1A00, $0x38;
	[tilespmem:$0x15800] =	vst v63  }
0x6b: {  	s11 =	simm.s32 $0x0  }
0x6c: {  	v3 =	vld [tilespmem:s11+$0x11030]  }
0x6d: {  	v4 =	vld [tilespmem:s11+$0x11000]  }
0x6e: {  	v6 =	vld [tilespmem:s11+$0xE030]  }
0x6f: {  	v1 =	vld [tilespmem:s11+$0x11010]  }
0x70: {  	v0 =	vld [tilespmem:s11+$0x11020]  }
0x71: {  	v2 =	vld [tilespmem:s11+$0xE000];
	v7 =	vmul.f32 $1.000000010e-01, v3  }
0x72: {  	v3 =	vld [tilespmem:s11+$0xE010]  }
0x73: {  	s12 =	simm.s32 $0x200;
	s10 =	simm.s32 $0x40;
	v5 =	vmul.f32 $1.000000010e-01, v4;
	v4 =	vld [tilespmem:s11+$0xE020];
	v6 =	vadd.f32 v7, v6  }
.LBB2_5:
0x74: {  	p0 =	sne.s32 s12, $0x5F00;
	v7 =	vld [tilespmem:s10+$0x11030];
	v8 =	vmul.f32 $1.000000010e-01, v1  }
0x75: {  	v9 =	vld [tilespmem:s10+$0x11000];
	v10 =	vmul.f32 $1.000000010e-01, v0;
	[tilespmem:s11+$0x14030] =	vst v6  }
0x76: {  	v6 =	vld [tilespmem:s10+$0xE030];
	v2 =	vadd.f32 v5, v2  }
.Ltmp3:
0x77: {  	v1 =	vld [tilespmem:s10+$0x11010];
	v3 =	vadd.f32 v8, v3;
	(pc) =	sbr.rel @p0 .LBB2_5-.Ltmp3, $4  }
0x78: {  	v0 =	vld [tilespmem:s10+$0x11020];
	[tilespmem:s11+$0x14000] =	vst v2;
	v4 =	vadd.f32 v10, v4  }
0x79: {  	v2 =	vld [tilespmem:s10+$0xE000];
	v7 =	vmul.f32 $1.000000010e-01, v7;
	[tilespmem:s11+$0x14010] =	vst v3  }
0x7a: {  	v5 =	vmul.f32 $1.000000010e-01, v9;
	v3 =	vld [tilespmem:s10+$0xE010];
	[tilespmem:s11+$0x14020] =	vst v4;
	s11 =	smov.u32 s10  }
0x7b: {  	s10 =	sshra.s32 s12, $0x2;
	s12 =	sadd.s32 $0x100, s12;
	v4 =	vld [tilespmem:s11+$0xE020];
	v6 =	vadd.f32 v7, v6  }
0x7c: {  	v7 =	vld [tilespmem:s10+$0x11030]  }
0x7d: {  	v8 =	vld [tilespmem:s10+$0x11000];
	v1 =	vmul.f32 $1.000000010e-01, v1;
	[tilespmem:s11+$0x14030] =	vst v6  }
0x7e: {  	v0 =	vmul.f32 $1.000000010e-01, v0;
	v6 =	vld [tilespmem:s10+$0xE030];
	v2 =	vadd.f32 v5, v2  }
0x7f: {  	v57 =	vld [tilespmem:s10+$0x11010];
	v1 =	vadd.f32 v1, v3  }
0x80: {  	v9 =	vld [tilespmem:s10+$0x11020];
	[tilespmem:s11+$0x14000] =	vst v2;
	v0 =	vadd.f32 v0, v4  }
0x81: {  	v2 =	vld [tilespmem:s10+$0xE000];
	[tilespmem:s11+$0x14010] =	vst v1  }
0x82: {  	v1 =	vld [tilespmem:s10+$0xE010];
	[tilespmem:s11+$0x14020] =	vst v0  }
0x83: {  	v58 =	vmul.f32 $1.000000010e-01, v7;
	v59 =	vld [tilespmem:s10+$0xE020]  }
0x84: {  	v60 =	vmul.f32 $1.000000010e-01, v8  }
0x85: {  	v0 =	vadd.f32 v58, v6;
	v5 =	vmul.f32 $1.000000010e-01, v57  }
0x86: {  	s9 =	smul.u32 $0x3200, s9;
	v61 =	vmul.f32 $1.000000010e-01, v9;
	v2 =	vadd.f32 v60, v2  }
0x87: {  	[tilespmem:s10+$0x14030] =	vst v0;
	v62 =	vadd.f32 v5, v1  }
0x88: {  	s9 =	sshrl.u32 s9, $0x3;
	[tilespmem:s10+$0x14000] =	vst v2;
	v63 =	vadd.f32 v61, v59  }
0x89: {  	s9 =	sadd.s32 s2, s9;
	[tilespmem:s10+$0x14010] =	vst v62  }
0x8a: {  	s9 =	sadd.s32 $0x340, s9;
	[tilespmem:s10+$0x14020] =	vst v63  }
0x8b: {  	[hbm4b:s9+s3] =	stream.linear.scatter [tilespmem:s1], [sflag:$0xA], $0x1800, $0x38;
	[tilespmem:$0x15800] =	vst v63  }
0x8c: {  	p0 =	seq.s32 s8, $0x3F;
	_ =	swait.ge [sflag:s0], $0x1A00  }
.Ltmp4:
0x8d: {  	[sflag:s0] =	ssyncset.done $0x0;
	(pc) =	sbr.rel @p0 .LBB2_8-.Ltmp4, $4  }
0x8e: {  	[sflag:s0] =	ssyncadd.s32 $0xFFFFE600  }
0x8f: {  	_ =	swait.ge [sflag:s20], $0x1800  }
0x90: {  	[sflag:s20] =	ssyncset.done $0x0  }
0x91: {  	[sflag:s20] =	ssyncadd.s32 $0xFFFFE800  }
0x92: {  	s9 =	smul.u32 $0x1A0, s13;
	_ =	sdelay $0x1  }
0x93: {  	s10 =	sadd.s32 $0x340, s9  }
0x94: {  	s11 =	smul.u32 $0x60, s13;
	s10 =	sshra.s32 s10, $0x2  }
0x95: {  	[tilespmem:s15], [sflag:$0x1] =	stream.indirect.gather [hbm4b:s5+s14], $0x40, s10, s14, $0xb8;
	[tilespmem:$0x15800] =	vst v63  }
0x96: {  	s12 =	sadd.s32 $0x34C0, s11  }
0x97: {  	[tilespmem:s17], [sflag:$0x3] =	stream.indirect.gather [hbm4b:s6+s16], $0x40, s12, s16, $0xb8;
	[tilespmem:$0x15800] =	vst v63  }
0x98: {  	s13 =	sadd.s32 $0x64C0, s11  }
0x99: {  	[tilespmem:s18], [sflag:$0x5] =	stream.indirect.gather [hbm4b:s5+s16], $0x40, s13, s16, $0xb8;
	[tilespmem:$0x15800] =	vst v63  }
0x9a: {  	_ =	swait.ge [sflag:s22], $0x1A00  }
0x9b: {  	[sflag:s22] =	ssyncset.done $0x0  }
0x9c: {  	[sflag:s22] =	ssyncadd.s32 $0xFFFFE600  }
0x9d: {  	_ =	swait.ge [sflag:s7], $0x1800  }
0x9e: {  	s9 =	sadd.s32 $0x4E0, s9;
	[sflag:s7] =	ssyncset.done $0x0  }
0x9f: {  	s9 =	sshra.s32 s9, $0x2;
	[sflag:s7] =	ssyncadd.s32 $0xFFFFE800  }
0xa0: {  	[tilespmem:s19], [sflag:$0x2] =	stream.indirect.gather [hbm4b:s5+s14], $0x40, s9, s14, $0xb8;
	[tilespmem:$0x15800] =	vst v63  }
.Ltmp5:
0xa1: {  	_ = 	snop;
	(pc) =	sbr.rel .LBB2_2-.Ltmp5, $4  }
0xa2: {  	s12 =	sadd.s32 $0x3520, s11  }
0xa3: {  	[tilespmem:s21], [sflag:$0x4] =	stream.indirect.gather [hbm4b:s6+s16], $0x40, s12, s16, $0xb8;
	[tilespmem:$0x15800] =	vst v63  }
0xa4: {  	s8 =	sadd.s32 $0x1, s8;
	s13 =	sadd.s32 $0x6520, s11  }
0xa5: {  	[tilespmem:s23], [sflag:$0x6] =	stream.indirect.gather [hbm4b:s5+s16], $0x40, s13, s16, $0xb8;
	[tilespmem:$0x15800] =	vst v63  }
.LBB2_9:
0xa6: {  	_ =	sfence.sel $0x180000  }
0xa7: {  	[bflag:$0x0] =	sbarrier.arrive $0xFFFF  }
0xa8: {  	_ =	strace $0x9000004A  }
0xa9: {  	s0 =	stileid.u32;
	[bflag:$0x2] =	sbarrier.arrive $0xFFFF  }
0xaa: {  	p0 =	sne.s32 s0, $0x0;
	s0 =	rddreg [dreg:$0x2]  }
0xab: {  	s0 =	sadd.s32 @!p0 $0x100000, s0  }
0xac: {  	[sflag:s0] =	ssyncadd.tile.s32 @!p0 $0x1;
	_ =	shalt  }
.Lfunc_end2:
_tile_overlayer_lowered:
.L_overlay_start_2:
0xad: {  	(tag) =	ssettag $0x2  }
0xae: {  	s0 =	rddreg [dreg:$0x0];
	s2 =	stileid.u32  }
0xaf: {  	s1 =	rddreg [dreg:$0x1];
	p0 =	sne.s32 s2, $0x0  }
0xb0: {  	s3 =	rddreg [dreg:$0x2];
	[bflag:$0x3] =	sbarrier.arrive $0xFFFF;
	s2 =	simm.s32 @!p0 $0x1C0B  }
0xb1: {  	[timem:s3], [sflag:s2] =	dma.local @!p0 [hbm:s0], s1  }
0xb2: {  	s0 =	simm.s32 @!p0 $0xB  }
0xb3: {  	_ =	swait.ge @!p0 [sflag:s0], s1  }
0xb4: {  	s1 =	ssub.s32 @!p0 $0x0, s1;
	[sflag:s0] =	ssyncset.done @!p0 $0x0  }
0xb5: {  	[sflag:s0] =	ssyncadd.s32 @!p0 s1  }
0xb6: {  	[bflag:$0x3] =	sbarrier.arrive $0xFFFF  }
0xb7: {  	_ =	shalt  }

// kernel: sparse-core-data-format-call.cloned.1.call-start
scs
called_computation_lowered:
.L_overlay_start_0:
0x0: {  	s2 =	sld [smem:$0x3FD9]  }
0x1: {  	s3 =	sld [smem:$0x3FFE];
	_ =	sdelay $0x1  }
0x2: {  	s1 =	srdreg.scid  }
0x3: {  	s0 =	sand.u32 $0x1, s1  }
0x4: {  	s18 =	sshll.u32 s0, $0xA;
	s2 =	sadd.s32 s3, s2  }
0x5: {  	s2 =	sadd.s32 s2, s18  }
0x6: {  	[smem:$0x3FC4] =	sst s2  }
0x7: {  	_ = 	snop  }
0x8: {  	s2 =	sld [smem:$0x3FD0];
	(tm) =	ssettm $0x1  }
0x9: {  	s19 =	sld [smem:$0x3FFB];
	_ =	sdelay $0x3  }
0xa: {  	_ =	strace s19  }
0xb: {  	s3 =	sld [smem:$0x3FFC];
	_ =	sdelay $0x3  }
0xc: {  	_ =	strace s3  }
0xd: {  	s3 =	sld [smem:$0x3FFD];
	_ =	sdelay $0x3  }
0xe: {  	_ =	strace s3  }
0xf: {  	_ =	strace $0x8FFFFFFF  }
0x10: {  	s20 =	sld [smem:$0x3FDB];
	_ =	sdelay $0x1  }
0x11: {  	s4 =	simm.s32 $_scs_section_size  }
0x12: {  	s5 =	simm.s32 $_size__tile_overlayer_lowered;
	s6 =	simm.s32 $_tile_overlayer_lowered  }
0x13: {  	s23 =	simm.s32 $0x1BFF;
	s22 =	sshll.u32 s6, $0x1;
	s3 =	sadd.s32 s4, s20  }
0x14: {  	s7 =	simm.s32 $0x0;
	s21 =	sshll.u32 s5, $0x1;
	s5 =	sadd.s32 s22, s3  }
0x15: {  	[timem:s7], [sflag:s23] =	dma.local [hbm:s5], s21  }
0x16: {  	_ =	swait.ge [sflag:s23], s21  }
0x17: {  	s4 =	ssub.s32 $0x0, s21;
	[sflag:s23] =	ssyncset.done $0x0  }
0x18: {  	[sflag:s23] =	ssyncadd.s32 s4;
	_ =	sdelay $0x1  }
0x19: {  	s24 =	simm.s32 $0x1B8B  }
0x1a: {  	_ =	swait.ge [sflag:s24], $0x1  }
0x1b: {  	[sflag:s24] =	ssyncset.done $0x0  }
0x1c: {  	s26 =	simm.s32 $0x1B8E;
	s25 =	sld [smem:$0x3FFE];
	[sflag:s24] =	ssyncadd.s32 $0xFFFFFFFF  }
0x1d: {  	s27 =	simm.s32 $execute0_lowered;
	[smem:$0x3FD2] =	sst s26  }
0x1e: {  	s5 =	sshll.u32 s27, $0x1;
	_ =	strace $0x8000004C;
	[dreg:$0x1] =	wrdreg $0xFFFFFFFF  }
0x1f: {  	s28 =	simm.s32 $_size_execute0_lowered;
	s3 =	sadd.s32 s3, s5;
	[dreg:$0x0] =	wrdreg $0x0  }
0x20: {  	s5 =	sshll.u32 s28, $0x1;
	[dreg:$0x2] =	wrdreg s3  }
0x21: {  	[dreg:$0x3] =	wrdreg s5  }
0x22: {  	[dreg:$0x4] =	wrdreg $0xC0  }
0x23: {  	_ =	task [dreg:s7], $0x5FFFF  }
0x24: {  	[dreg:$0x1] =	wrdreg $0xFFFFFFFF  }
0x25: {  	[dreg:$0x0] =	wrdreg $0x60  }
0x26: {  	[dreg:$0x2] =	wrdreg s25  }
0x27: {  	[dreg:$0x3] =	wrdreg s2  }
0x28: {  	[dreg:$0x4] =	wrdreg $0x9  }
0x29: {  	_ =	task.clear_ibuf [dreg:s7], $0x5FFFF;
	_ =	strace $0x9000004C  }
0x2a: {  	s29 =	simm.s32 $0x9;
	_ =	strace $0x8000004E  }
0x2b: {  	_ =	swait.ge [sflag:s29], $0x1  }
0x2c: {  	[sflag:s29] =	ssyncadd.s32 $0xFFFFFFFF  }
0x2d: {  	_ =	strace $0x9000004E  }
0x2e: {  	_ =	sfence  }
0x2f: {  	s30 =	sld [smem:$0x0];
	_ =	sdelay $0x2  }
0x30: {  	s31 =	sshll.u32 s1, $0xD;
	s1 =	sshrl.u32 s1, $0x2  }
0x31: {  	s3 =	sand.u32 $0x4000, s31;
	s1 =	sadd.s32 s1, s30  }
0x32: {  	s0 =	sor.u32 s3, s0;
	s1 =	sshll.u32 s1, $0x11  }
0x33: {  	s0 =	sor.u32 s1, s0  }
0x34: {  	s0 =	sadd.s32 $0x8F2B, s0  }
0x35: {  	[sflag:s0] =	ssyncadd.remote.s32 $0x1  }
0x36: {  	_ =	sfence.sel $0xFFFF  }
0x37: {  	[dreg:$0x0] =	wrdreg $0xFFFFFFFF;
	(pc) =	sbr.abs _section_cstart, $3  }
0x38: {  	[dreg:$0x1] =	wrdreg $0xFFFFFFFF  }
0x39: {  	_ =	task.clear_ibuf [dreg:s7], $0x2FFFF;
	_ =	strace $0x9FFFFFFF  }
0x3a: {  	(tm) =	ssettm $0x7FFFFFFF  }
0x3b: {  	_ =	shalt  }
tec
execute0_lowered:
.L_overlay_start_1:
0x0: {  	(tag) =	ssettag $0x1  }
0x1: {  	s0 =	srdreg.scid  }
0x2: {  	s1 =	sshll.u32 s0, $0x4  }
0x3: {  	s0 =	stileid.u32;
	s1 =	sand.u32 $0x10, s1  }
0x4: {  	s1 =	sor.u32 s0, s1  }
0x5: {  	s6 =	rddreg [dreg:$0x0];
	s4 =	simm.s32 $0x1;
	s2 =	sshll.u32 s1, $0x7  }
0x6: {  	s7 =	simm.s32 $0x2;
	s12 =	simm.s32 $0x0;
	s1 =	ssub.s32 $0x1000, s2  }
0x7: {  	s8 =	simm.s32 $0x8000;
	s13 =	simm.s32 $0x0;
	s3 =	sand.u32 $0xF80, s1  }
0x8: {  	s9 =	simm.s32 $0x0;
	s5 =	sshrl.u32 s1, $0xC;
	p0 =	sne.s32 s3, $0x0  }
.Ltmp0:
0x9: {  	s1 =	rddreg [dreg:$0x2];
	s4 =	simm.s32 @!p0 $0x0;
	(pc) =	sbr.rel .LBB1_1-.Ltmp0, $4  }
0xa: {  	s11 =	simm.s32 $0x0;
	s3 =	rddreg [dreg:$0x1];
	s5 =	sadd.s32 s4, s5  }
0xb: {  	_ =	strace $0x8000004D;
	s4 =	simm.s32 $0x1;
	s5 =	smul.u32 $0xC8, s5  }
0xc: {  	s6 =	sadd.s32 $0x1200, s6;
	s10 =	smov.u32 s2;
	[sflag:s4] =	ssyncpa.u1 $0x0  }
0xd: {  	p0 =	por $0x0, $0x0;
	[sflag:s7] =	ssyncpa.u1 $0x0;
	s7 =	sor.u32 $0x1, s5  }
.LBB1_4:
0xe: {  	s16 =	sshll.u32 s13, $0x3;
	s17 =	sand.u32 $0x78, s13  }
0xf: {  	s30 =	sand.u32 $0x7E00, s13;
	s12 =	sshll.u32 s12, $0xF;
	s16 =	sand.u32 $0xC00, s16  }
0x10: {  	[tilespmem:s15+$0x810 ss:$0x81] =	vst.msk $0xffff, v2;
	s31 =	sand.u32 $0x7, s13;
	s16 =	sor.u32 s17, s16;
	s17 =	sadd.s32 s3, s30  }
0x11: {  	[tilespmem:s15+$0x1020 ss:$0x81] =	vst.msk $0xffff, v0;
	s13 =	sshll.u32 s31, $0x12;
	s12 =	sadd.s32 s12, s17;
	s16 =	sshrl.u32 s16, $0x3  }
0x12: {  	[tilespmem:s15+$0x0 ss:$0x81] =	vst.msk $0xffff, v1;
	s13 =	sor.u32 $0x400, s13;
	s12 =	sadd.s32 s16, s12  }
0x13: {  	[hbm4b:s12+s13] =	stream.strided.scatter [tilespmem:s14], [sflag:$0x2], $0x2000, s8, s13, $0x20;
	[tilespmem:$0x8080] =	vst v63  }
.LBB1_5:
0x14: {  	s14 =	sadd.s32 $0x1, s9  }
0x15: {  	s12 =	sadd.s32 $0x1000, s10;
	s16 =	smov.u32 s10;
	p2 =	sgt.s32 s14, $0xC7  }
0x16: {  	s16 =	smov.u32 @p2 s12  }
0x17: {  	s14 =	simm.s32 @p2 $0x0;
	p2 =	sgt.s32 s16, $0xFFF  }
0x18: {  	s16 =	smov.u32 @p2 s2;
	p2 =	sne.s32 s11, s7  }
.Ltmp1:
0x19: {  	p1 =	slt.u32 s11, $0x2;
	(pc) =	sbr.rel @!p2 .LBB1_6-.Ltmp1, $4  }
0x1a: {  	s15 =	simm.s32 @!p1 $0x2  }
0x1b: {  	s13 =	smov.u32 s10;
	p0 =	por !p0, !p0;
	_ =	swait.ge @!p1 [sflag:s15], $0x2000  }
0x1c: {  	s12 =	smov.u32 s9;
	[sflag:s15] =	ssyncset.done @!p1 $0x0;
	s9 =	smov.u32 s14  }
0x1d: {  	s11 =	sadd.s32 $0x1, s11;
	[sflag:s15] =	ssyncadd.s32 @!p1 $0xFFFFE000;
	s10 =	smov.u32 s16  }
.LBB1_1:
0x1e: {  	p1 =	sge.u32 s11, s5  }
0x1f: {  	s14 =	sand.u32 @!p1 $0x1FFFFFF, s9  }
0x20: {  	s15 =	smulhi.u32 @!p1 $0x147AE15, s14;
	_ =	sdelay $0x1  }
0x21: {  	s15 =	smul.u32 @!p1 $0xC8, s15  }
0x22: {  	s16 =	sxor.u32 @!p1 $0xFFFFFFFF, s11;
	s17 =	smul.u32 @!p1 $0xC80, s10  }
0x23: {  	s31 =	sadd.s32 $0xFFFFFFFF, s11;
	s16 =	sshll.u32 @!p1 s16, $0xD;
	s14 =	ssub.s32 @!p1 s14, s15  }
0x24: {  	s15 =	sand.u32 @!p1 $0x2000, s16;
	s16 =	sadd.s32 @!p1 s6, s17;
	s14 =	sshll.u32 @!p1 s14, $0x4  }
0x25: {  	s17 =	simm.s32 @!p1 $0x6400;
	s14 =	sadd.s32 @!p1 s14, s16;
	s16 =	simm.s32 @!p1 $0x40  }
0x26: {  	[tilespmem:s15], [sflag:$0x1] =	stream.strided.gather @!p1 [hbm4b:s14+s16], $0x2000, s17, s16, $0x38;
	[tilespmem:$0x8080] =	vst v63  }
0x27: {  	p1 =	sge.u32 s31, s5  }
.Ltmp2:
0x28: {  	_ = 	snop;
	(pc) =	sbr.rel @p1 .LBB1_5-.Ltmp2, $1  }
0x29: {  	_ =	sdelay $0x3  }
0x2a: {  	s14 =	simm.s32 $0x1  }
0x2b: {  	_ =	swait.ge [sflag:s4], $0x2000;
	s14 =	simm.s32 @!p0 $0x0  }
0x2c: {  	[sflag:s4] =	ssyncset.done $0x0;
	s15 =	sshll.u32 s14, $0xD  }
0x2d: {  	[sflag:s4] =	ssyncadd.s32 $0xFFFFE000;
	s18 =	sor.u32 $0x20, s15  }
0x2e: {  	s14 =	smul.u32 $0x8100, s14;
	v3 =	vld [tilespmem:s18+$0x10]  }
0x2f: {  	s30 =	sand.u32 $0x1, s11;
	v2 =	vld [tilespmem:s18+$0xFFFFFFF0]  }
0x30: {  	s15 =	smul.u32 $0x8100, s30;
	s14 =	sshrl.u32 s14, $0x2;
	v0 =	vld [tilespmem:s18+$0x0]  }
0x31: {  	v1 =	vld [tilespmem:s18+$0xFFFFFFE0];
	s16 =	sor.u32 $0x4000, s14  }
0x32: {  	s31 =	sshrl.u32 s15, $0x2;
	s15 =	sadd.s32 $0x0, s16  }
0x33: {  	s17 =	simm.s32 $0x4;
	s18 =	sadd.s32 $0x40, s18;
	s14 =	sor.u32 $0x4000, s31;
	[tilespmem:s15+$0x1830 ss:$0x81] =	vst.msk $0xffff, v3  }
.LBB1_3:
0x34: {  	v3 =	vld [tilespmem:s18+$0x10];
	p1 =	sne.s32 s17, $0x1FC;
	[tilespmem:s15+$0x810 ss:$0x81] =	vst.msk $0xffff, v2;
	s19 =	smov.u32 s17;
	s17 =	sadd.s32 $0x4, s17  }
.Ltmp3:
0x35: {  	v2 =	vld [tilespmem:s18+$0xFFFFFFF0];
	[tilespmem:s15+$0x1020 ss:$0x81] =	vst.msk $0xffff, v0;
	(pc) =	sbr.rel @p1 .LBB1_3-.Ltmp3, $4  }
0x36: {  	v0 =	vld [tilespmem:s18+$0x0];
	[tilespmem:s15+$0x0 ss:$0x81] =	vst.msk $0xffff, v1  }
0x37: {  	s15 =	sshra.s32 s19, $0x2;
	v1 =	vld [tilespmem:s18+$0xFFFFFFE0]  }
0x38: {  	s15 =	sadd.s32 s15, s16  }
0x39: {  	s18 =	sadd.s32 $0x40, s18;
	[tilespmem:s15+$0x1830 ss:$0x81] =	vst.msk $0xffff, v3  }
.Ltmp4:
0x3a: {  	_ = 	snop;
	(pc) =	sbr.rel .LBB1_4-.Ltmp4, $1  }
0x3b: {  	_ =	sdelay $0x3  }
.LBB1_6:
0x3c: {  	_ =	sfence.sel $0x180000  }
0x3d: {  	s2 =	simm.s32 $0x1;
	[bflag:$0x0] =	sbarrier.arrive $0xFFFF  }
0x3e: {  	s31 =	simm.s32 $0x2;
	[sflag:s2] =	ssyncpa.u1 $0x1  }
0x3f: {  	[sflag:s31] =	ssyncpa.u1 $0x1  }
0x40: {  	p0 =	sne.s32 s0, $0x0;
	_ =	strace $0x9000004D  }
0x41: {  	s0 =	sadd.s32 @!p0 $0x100000, s1;
	[bflag:$0x2] =	sbarrier.arrive $0xFFFF  }
0x42: {  	[sflag:s0] =	ssyncadd.tile.s32 @!p0 $0x1;
	_ =	shalt  }
.Lfunc_end1:
_tile_overlayer_lowered:
.L_overlay_start_2:
0x43: {  	(tag) =	ssettag $0x2  }
0x44: {  	s0 =	rddreg [dreg:$0x0];
	s2 =	stileid.u32  }
0x45: {  	s1 =	rddreg [dreg:$0x1];
	p0 =	sne.s32 s2, $0x0  }
0x46: {  	s3 =	rddreg [dreg:$0x2];
	[bflag:$0x3] =	sbarrier.arrive $0xFFFF;
	s2 =	simm.s32 @!p0 $0x1C01  }
0x47: {  	[timem:s3], [sflag:s2] =	dma.local @!p0 [hbm:s0], s1  }
0x48: {  	s0 =	simm.s32 @!p0 $0x1  }
0x49: {  	_ =	swait.ge @!p0 [sflag:s0], s1  }
0x4a: {  	s1 =	ssub.s32 @!p0 $0x0, s1;
	[sflag:s0] =	ssyncset.done @!p0 $0x0  }
0x4b: {  	[sflag:s0] =	ssyncadd.s32 @!p0 s1  }
0x4c: {  	[bflag:$0x3] =	sbarrier.arrive $0xFFFF  }
0x4d: {  	_ =	shalt  }

</sc_bundles>
